<compile_context>
chip_gen: v7x
topology: tpu7x:2x2x1
jax: 0.10.2.dev20260603
libtpu: 0.0.44.dev20260713+nightly
codegen_flags: <defaults>
</compile_context>

<pallas_src>
import functools
import jax
import jax.numpy as jnp
from jax import lax
from jax.experimental import pallas as pl
from jax.experimental.pallas import tpu as pltpu
from jax.experimental.pallas import tpu_sc as plsc

_B, _N, _D = 1024, 512, 64
_T = 2 * _N
_NW = 32
_RPW = _B // _NW
_DH = _D // 2
_L = 16


def _sc_body(f_hbm, base_hbm, wn_hbm, wr_hbm, out_hbm,
             base_v, wn_v, wr_v, f_v, out_v):
    wid = lax.axis_index("s") * 2 + lax.axis_index("c")
    pltpu.sync_copy(base_hbm, base_v)
    pltpu.sync_copy(wn_hbm, wn_v)
    pltpu.sync_copy(wr_hbm, wr_v)
    row0 = wid * _RPW

    def per_row(r, carry):
        b = row0 + r
        pltpu.sync_copy(f_hbm.at[b], f_v)

        def per_dhalf(dh, carry2):
            def per_d(dd, carry3):
                d = dh * _DH + dd
                wn16 = wn_v[d, :]
                wr16 = wr_v[d, :]
                for j in range(_N // _L):
                    t0 = j * _L
                    out_v[dd, pl.ds(t0, _L)] = (
                        f_v[pl.ds(t0, _L)] * wn16 + base_v[d, pl.ds(t0, _L)])
                for j in range(_N // _L):
                    t0 = _N + j * _L
                    out_v[dd, pl.ds(t0, _L)] = (
                        f_v[pl.ds(t0, _L)] * wr16 + base_v[d, pl.ds(t0, _L)])
                return carry3

            lax.fori_loop(0, _DH, per_d, 0)
            pltpu.sync_copy(out_v, out_hbm.at[b, pl.ds(dh * _DH, _DH), :])
            return carry2

        lax.fori_loop(0, 2, per_dhalf, 0)
        return carry

    lax.fori_loop(0, _RPW, per_row, 0)


def kernel(features_nir, features_raman, W_nir, b_nir, W_raman, b_raman, pos_table, spec_table):
    B, N = features_nir.shape
    D = pos_table.shape[1]

    f_all = jnp.concatenate([features_nir, features_raman], axis=1)
    base_t = jnp.concatenate(
        [pos_table.T + (b_nir + spec_table[0])[:, None],
         pos_table.T + (b_raman + spec_table[1])[:, None]], axis=1)
    wn_splat = jnp.broadcast_to(W_nir[:, 0][:, None], (D, _L))
    wr_splat = jnp.broadcast_to(W_raman[:, 0][:, None], (D, _L))

    mesh = plsc.VectorSubcoreMesh(core_axis_name="c", subcore_axis_name="s")
    run = functools.partial(
        pl.kernel,
        out_type=jax.ShapeDtypeStruct((B, D, 2 * N), jnp.float32),
        mesh=mesh,
        scratch_types=[
            pltpu.VMEM((D, 2 * N), jnp.float32),
            pltpu.VMEM((D, _L), jnp.float32),
            pltpu.VMEM((D, _L), jnp.float32),
            pltpu.VMEM((2 * N,), jnp.float32),
            pltpu.VMEM((_DH, 2 * N), jnp.float32),
        ],
    )(_sc_body)
    out_t = run(f_all, base_t, wn_splat, wr_splat)
    return out_t.transpose(0, 2, 1)

# --- scband reference (transcript-rebuilt; emitter-appended) ---
"""Pipeline reference for scband-tokenizer-19026705121806 (READ-ONLY COPY).

The authoritative reference and input builder live on the scoring server;
editing this copy changes nothing except your own understanding.
"""

import jax, jax.numpy as jnp
import numpy as np

B, N, D = 1024, 512, 64

def setup_inputs(seed: int = 0) -> dict:
    key = jax.random.key(seed)
    ks = jax.random.split(key, 8)
    return {
        "features_nir": jax.random.normal(ks[0], (B, N), dtype=jnp.float32),
        "features_raman": jax.random.normal(ks[1], (B, N), dtype=jnp.float32),
        "W_nir": jax.random.normal(ks[2], (D, 1), dtype=jnp.float32) * 0.02,
        "b_nir": jnp.zeros((D,), dtype=jnp.float32),
        "W_raman": jax.random.normal(ks[3], (D, 1), dtype=jnp.float32) * 0.02,
        "b_raman": jnp.zeros((D,), dtype=jnp.float32),
        "pos_table": jax.random.normal(ks[4], (N, D), dtype=jnp.float32) * 0.02,
        "spec_table": jax.random.normal(ks[5], (2, D), dtype=jnp.float32) * 0.02,
    }

def reference(features_nir, features_raman, W_nir, b_nir, W_raman, b_raman, pos_table, spec_table):
    batch_size = features_nir.shape[0]
    tokens_list = []
    for i, (feats, W, b) in enumerate([(features_nir, W_nir, b_nir), (features_raman, W_raman, b_raman)]):
        n_feat = feats.shape[1]
        # nn.Linear(1, d_model): out = x * weight[:,0] + bias, broadcast over [B, N]
        feat_embeds = feats[:, :, None] * W[:, 0][None, None, :] + b[None, None, :]
        # position embedding gather: arange repeated over batch
        positions = jnp.broadcast_to(jnp.arange(n_feat, dtype=jnp.int32)[None, :], (batch_size, n_feat))
        pos_embeds = jnp.take(pos_table, positions, axis=0)
        # spectrum embedding gather: constant index i
        spec_idx = jnp.full((batch_size, n_feat), i, dtype=jnp.int32)
        spec_embeds = jnp.take(spec_table, spec_idx, axis=0)
        tokens_list.append(feat_embeds + pos_embeds + spec_embeds)
    tokens = jnp.concatenate(tokens_list, axis=1)
    return tokens

if __name__ == "__main__":
    import jax
    _d = setup_inputs()
    print(jax.jit(kernel)(*tuple(_d.values())))

</pallas_src>

<mosaic_0001>
#map = affine_map<(d0, d1) -> (0, 0)>
#map1 = affine_map<(d0, d1) -> (0, 0, 0)>
module attributes {stable_mosaic.version = 14 : i64} {
  func.func @_sc_body(%arg0: i32, %arg1: i32, %arg2: memref<1024x1024xf32, #tpu.memory_space<hbm>>, %arg3: memref<64x1024xf32, #tpu.memory_space<hbm>>, %arg4: memref<64x16xf32, #tpu.memory_space<hbm>>, %arg5: memref<64x16xf32, #tpu.memory_space<hbm>>, %arg6: memref<1024x64x1024xf32, #tpu.memory_space<hbm>>, %arg7: memref<64x1024xf32, #tpu.memory_space<vmem>>, %arg8: memref<64x16xf32, #tpu.memory_space<vmem>>, %arg9: memref<64x16xf32, #tpu.memory_space<vmem>>, %arg10: memref<1024xf32, #tpu.memory_space<vmem>>, %arg11: memref<32x1024xf32, #tpu.memory_space<vmem>>) attributes {dimension_semantics = [#tpu.dimension_semantics<core_parallel>, #tpu.dimension_semantics<subcore_parallel>], iteration_bounds = array<i64: 2, 16>, scalar_prefetch = 0 : i64, scratch_operands = 5 : i64, tpu.core_type = #tpu.core_type<sc_vector_subcore>, window_params = [{transform_indices = #map}, {transform_indices = #map}, {transform_indices = #map}, {transform_indices = #map}, {transform_indices = #map1}]} {
    %mul3A = arith.constant 2 : i32
    %mul3A_0 = arith.muli %arg1, %mul3A : i32
    %add3A = arith.addi %mul3A_0, %arg0 : i32
    "tpu.region"() ({
      %run_scoped3A = tpu.sem_alloc : memref<!tpu.dma_semaphore, #tpu.memory_space<semaphore_mem>>
      tpu.enqueue_dma source(%arg3 : memref<64x1024xf32, #tpu.memory_space<hbm>>) target(%arg7 : memref<64x1024xf32, #tpu.memory_space<vmem>>) target_semaphore(%run_scoped3A : memref<!tpu.dma_semaphore, #tpu.memory_space<semaphore_mem>>)
      tpu.wait_dma2 semaphore(%run_scoped3A : memref<!tpu.dma_semaphore, #tpu.memory_space<semaphore_mem>>) src(%arg3 : memref<64x1024xf32, #tpu.memory_space<hbm>>) dst(%arg7 : memref<64x1024xf32, #tpu.memory_space<vmem>>)
      tpu.yield
    }) : () -> ()
    "tpu.region"() ({
      %run_scoped3A = tpu.sem_alloc : memref<!tpu.dma_semaphore, #tpu.memory_space<semaphore_mem>>
      tpu.enqueue_dma source(%arg4 : memref<64x16xf32, #tpu.memory_space<hbm>>) target(%arg8 : memref<64x16xf32, #tpu.memory_space<vmem>>) target_semaphore(%run_scoped3A : memref<!tpu.dma_semaphore, #tpu.memory_space<semaphore_mem>>)
      tpu.wait_dma2 semaphore(%run_scoped3A : memref<!tpu.dma_semaphore, #tpu.memory_space<semaphore_mem>>) src(%arg4 : memref<64x16xf32, #tpu.memory_space<hbm>>) dst(%arg8 : memref<64x16xf32, #tpu.memory_space<vmem>>)
      tpu.yield
    }) : () -> ()
    "tpu.region"() ({
      %run_scoped3A = tpu.sem_alloc : memref<!tpu.dma_semaphore, #tpu.memory_space<semaphore_mem>>
      tpu.enqueue_dma source(%arg5 : memref<64x16xf32, #tpu.memory_space<hbm>>) target(%arg9 : memref<64x16xf32, #tpu.memory_space<vmem>>) target_semaphore(%run_scoped3A : memref<!tpu.dma_semaphore, #tpu.memory_space<semaphore_mem>>)
      tpu.wait_dma2 semaphore(%run_scoped3A : memref<!tpu.dma_semaphore, #tpu.memory_space<semaphore_mem>>) src(%arg5 : memref<64x16xf32, #tpu.memory_space<hbm>>) dst(%arg9 : memref<64x16xf32, #tpu.memory_space<vmem>>)
      tpu.yield
    }) : () -> ()
    %mul3A_1 = arith.constant 32 : i32
    %mul3A_2 = arith.muli %add3A, %mul3A_1 : i32
    %scan3A = arith.constant 0 : i32
    %scan3A_3 = arith.constant 0 : i32
    %scan3A_4 = arith.constant 32 : i32
    %scan3A_5 = arith.addi %scan3A_3, %scan3A_4 : i32
    %scan3A_6 = arith.constant 1 : i32
    scf.for %scan3A_8 = %scan3A_3 to %scan3A_5 step %scan3A_6  : i32 {
      %add3A_9 = arith.addi %mul3A_2, %scan3A_8 : i32
      "tpu.region"() ({
        %run_scoped3A = tpu.sem_alloc : memref<!tpu.dma_semaphore, #tpu.memory_space<semaphore_mem>>
        %dma_start3A = arith.constant 0 : i32
        %dma_start3A_16 = tpu.memref_slice %arg2[%add3A_9, %dma_start3A] : memref<1024x1024xf32, #tpu.memory_space<hbm>> -> memref<1x1024xf32, #tpu.memory_space<hbm>>
        %dma_start3A_17 = tpu.memref_squeeze %dma_start3A_16 : memref<1x1024xf32, #tpu.memory_space<hbm>> -> memref<1024xf32, #tpu.memory_space<hbm>>
        %dma_start3A_18 = arith.constant 0 : i32
        %dma_start3A_19 = tpu.memref_slice %arg2[%add3A_9, %dma_start3A_18] : memref<1024x1024xf32, #tpu.memory_space<hbm>> -> memref<1x1024xf32, #tpu.memory_space<hbm>>
        %dma_start3A_20 = tpu.memref_squeeze %dma_start3A_19 : memref<1x1024xf32, #tpu.memory_space<hbm>> -> memref<1024xf32, #tpu.memory_space<hbm>>
        tpu.enqueue_dma source(%dma_start3A_20 : memref<1024xf32, #tpu.memory_space<hbm>>) target(%arg10 : memref<1024xf32, #tpu.memory_space<vmem>>) target_semaphore(%run_scoped3A : memref<!tpu.dma_semaphore, #tpu.memory_space<semaphore_mem>>)
        %dma_wait3A = arith.constant 0 : i32
        %dma_wait3A_21 = tpu.memref_slice %arg2[%add3A_9, %dma_wait3A] : memref<1024x1024xf32, #tpu.memory_space<hbm>> -> memref<1x1024xf32, #tpu.memory_space<hbm>>
        %dma_wait3A_22 = tpu.memref_squeeze %dma_wait3A_21 : memref<1x1024xf32, #tpu.memory_space<hbm>> -> memref<1024xf32, #tpu.memory_space<hbm>>
        %dma_wait3A_23 = arith.constant 0 : i32
        %dma_wait3A_24 = tpu.memref_slice %arg2[%add3A_9, %dma_wait3A_23] : memref<1024x1024xf32, #tpu.memory_space<hbm>> -> memref<1x1024xf32, #tpu.memory_space<hbm>>
        %dma_wait3A_25 = tpu.memref_squeeze %dma_wait3A_24 : memref<1x1024xf32, #tpu.memory_space<hbm>> -> memref<1024xf32, #tpu.memory_space<hbm>>
        tpu.wait_dma2 semaphore(%run_scoped3A : memref<!tpu.dma_semaphore, #tpu.memory_space<semaphore_mem>>) src(%dma_wait3A_25 : memref<1024xf32, #tpu.memory_space<hbm>>) dst(%arg10 : memref<1024xf32, #tpu.memory_space<vmem>>)
        tpu.yield
      }) : () -> ()
      %scan3A_10 = arith.constant 0 : i32
      %scan3A_11 = arith.constant 0 : i32
      %scan3A_12 = arith.constant 2 : i32
      %scan3A_13 = arith.addi %scan3A_11, %scan3A_12 : i32
      %scan3A_14 = arith.constant 1 : i32
      scf.for %scan3A_16 = %scan3A_11 to %scan3A_13 step %scan3A_14  : i32 {
        %scan3A_17 = arith.constant 0 : i32
        %scan3A_18 = arith.constant 0 : i32
        %scan3A_19 = arith.constant 32 : i32
        %scan3A_20 = arith.addi %scan3A_18, %scan3A_19 : i32
        %scan3A_21 = arith.constant 1 : i32
        scf.for %scan3A_25 = %scan3A_18 to %scan3A_20 step %scan3A_21  : i32 {
          %mul3A_26 = arith.constant 32 : i32
          %mul3A_27 = arith.muli %scan3A_16, %mul3A_26 : i32
          %add3A_28 = arith.addi %mul3A_27, %scan3A_25 : i32
          %get3A = arith.index_cast %add3A_28 : i32 to index
          %get3A_29 = arith.constant 0 : index
          %get3A_30 = tpu.vector_load %arg8[%get3A, %get3A_29] {strides = array<i32>} : memref<64x16xf32, #tpu.memory_space<vmem>>, vector<1x16xf32>,
          %get3A_31 = vector.shape_cast %get3A_30 : vector<1x16xf32> to vector<16xf32>
          %get3A_32 = arith.index_cast %add3A_28 : i32 to index
          %get3A_33 = arith.constant 0 : index
          %get3A_34 = tpu.vector_load %arg9[%get3A_32, %get3A_33] {strides = array<i32>} : memref<64x16xf32, #tpu.memory_space<vmem>>, vector<1x16xf32>,
          %get3A_35 = vector.shape_cast %get3A_34 : vector<1x16xf32> to vector<16xf32>
          %get3A_36 = arith.constant 0 : index
          %get3A_37 = tpu.vector_load %arg10[%get3A_36] {strides = array<i32>} : memref<1024xf32, #tpu.memory_space<vmem>>, vector<16xf32>,
          %get3A_38 = vector.shape_cast %get3A_37 : vector<16xf32> to vector<16xf32>
          %mul3A_39 = arith.mulf %get3A_38, %get3A_31 : vector<16xf32>
          %get3A_40 = arith.index_cast %add3A_28 : i32 to index
          %get3A_41 = arith.constant 0 : index
          %get3A_42 = tpu.vector_load %arg7[%get3A_40, %get3A_41] {strides = array<i32>} : memref<64x1024xf32, #tpu.memory_space<vmem>>, vector<1x16xf32>,
          %get3A_43 = vector.shape_cast %get3A_42 : vector<1x16xf32> to vector<16xf32>
          %add3A_44 = arith.addf %mul3A_39, %get3A_43 : vector<16xf32>
          %swap3A = arith.index_cast %scan3A_25 : i32 to index
          %swap3A_45 = arith.constant 0 : index
          %swap3A_46 = tpu.vector_load %arg11[%swap3A, %swap3A_45] {strides = array<i32>} : memref<32x1024xf32, #tpu.memory_space<vmem>>, vector<1x16xf32>,
          %swap3A_47 = vector.shape_cast %swap3A_46 : vector<1x16xf32> to vector<16xf32>
          %swap3A_48 = vector.shape_cast %add3A_44 : vector<16xf32> to vector<1x16xf32>
          tpu.vector_store %arg11[%swap3A, %swap3A_45], %swap3A_48 {strides = array<i32>} : memref<32x1024xf32, #tpu.memory_space<vmem>>, vector<1x16xf32>,
          %get3A_49 = arith.constant 16 : index
          %get3A_50 = tpu.vector_load %arg10[%get3A_49] {strides = array<i32>} : memref<1024xf32, #tpu.memory_space<vmem>>, vector<16xf32>,
          %get3A_51 = vector.shape_cast %get3A_50 : vector<16xf32> to vector<16xf32>
          %mul3A_52 = arith.mulf %get3A_51, %get3A_31 : vector<16xf32>
          %get3A_53 = arith.index_cast %add3A_28 : i32 to index
          %get3A_54 = arith.constant 16 : index
          %get3A_55 = tpu.vector_load %arg7[%get3A_53, %get3A_54] {strides = array<i32>} : memref<64x1024xf32, #tpu.memory_space<vmem>>, vector<1x16xf32>,
          %get3A_56 = vector.shape_cast %get3A_55 : vector<1x16xf32> to vector<16xf32>
          %add3A_57 = arith.addf %mul3A_52, %get3A_56 : vector<16xf32>
          %swap3A_58 = arith.index_cast %scan3A_25 : i32 to index
          %swap3A_59 = arith.constant 16 : index
          %swap3A_60 = tpu.vector_load %arg11[%swap3A_58, %swap3A_59] {strides = array<i32>} : memref<32x1024xf32, #tpu.memory_space<vmem>>, vector<1x16xf32>,
          %swap3A_61 = vector.shape_cast %swap3A_60 : vector<1x16xf32> to vector<16xf32>
          %swap3A_62 = vector.shape_cast %add3A_57 : vector<16xf32> to vector<1x16xf32>
          tpu.vector_store %arg11[%swap3A_58, %swap3A_59], %swap3A_62 {strides = array<i32>} : memref<32x1024xf32, #tpu.memory_space<vmem>>, vector<1x16xf32>,
          %get3A_63 = arith.constant 32 : index
          %get3A_64 = tpu.vector_load %arg10[%get3A_63] {strides = array<i32>} : memref<1024xf32, #tpu.memory_space<vmem>>, vector<16xf32>,
          %get3A_65 = vector.shape_cast %get3A_64 : vector<16xf32> to vector<16xf32>
          %mul3A_66 = arith.mulf %get3A_65, %get3A_31 : vector<16xf32>
          %get3A_67 = arith.index_cast %add3A_28 : i32 to index
          %get3A_68 = arith.constant 32 : index
          %get3A_69 = tpu.vector_load %arg7[%get3A_67, %get3A_68] {strides = array<i32>} : memref<64x1024xf32, #tpu.memory_space<vmem>>, vector<1x16xf32>,
          %get3A_70 = vector.shape_cast %get3A_69 : vector<1x16xf32> to vector<16xf32>
          %add3A_71 = arith.addf %mul3A_66, %get3A_70 : vector<16xf32>
          %swap3A_72 = arith.index_cast %scan3A_25 : i32 to index
          %swap3A_73 = arith.constant 32 : index
          %swap3A_74 = tpu.vector_load %arg11[%swap3A_72, %swap3A_73] {strides = array<i32>} : memref<32x1024xf32, #tpu.memory_space<vmem>>, vector<1x16xf32>,
          %swap3A_75 = vector.shape_cast %swap3A_74 : vector<1x16xf32> to vector<16xf32>
          %swap3A_76 = vector.shape_cast %add3A_71 : vector<16xf32> to vector<1x16xf32>
          tpu.vector_store %arg11[%swap3A_72, %swap3A_73], %swap3A_76 {strides = array<i32>} : memref<32x1024xf32, #tpu.memory_space<vmem>>, vector<1x16xf32>,
          %get3A_77 = arith.constant 48 : index
          %get3A_78 = tpu.vector_load %arg10[%get3A_77] {strides = array<i32>} : memref<1024xf32, #tpu.memory_space<vmem>>, vector<16xf32>,
          %get3A_79 = vector.shape_cast %get3A_78 : vector<16xf32> to vector<16xf32>
          %mul3A_80 = arith.mulf %get3A_79, %get3A_31 : vector<16xf32>
          %get3A_81 = arith.index_cast %add3A_28 : i32 to index
          %get3A_82 = arith.constant 48 : index
          %get3A_83 = tpu.vector_load %arg7[%get3A_81, %get3A_82] {strides = array<i32>} : memref<64x1024xf32, #tpu.memory_space<vmem>>, vector<1x16xf32>,
          %get3A_84 = vector.shape_cast %get3A_83 : vector<1x16xf32> to vector<16xf32>
          %add3A_85 = arith.addf %mul3A_80, %get3A_84 : vector<16xf32>
          %swap3A_86 = arith.index_cast %scan3A_25 : i32 to index
          %swap3A_87 = arith.constant 48 : index
          %swap3A_88 = tpu.vector_load %arg11[%swap3A_86, %swap3A_87] {strides = array<i32>} : memref<32x1024xf32, #tpu.memory_space<vmem>>, vector<1x16xf32>,
          %swap3A_89 = vector.shape_cast %swap3A_88 : vector<1x16xf32> to vector<16xf32>
          %swap3A_90 = vector.shape_cast %add3A_85 : vector<16xf32> to vector<1x16xf32>
          tpu.vector_store %arg11[%swap3A_86, %swap3A_87], %swap3A_90 {strides = array<i32>} : memref<32x1024xf32, #tpu.memory_space<vmem>>, vector<1x16xf32>,
          %get3A_91 = arith.constant 64 : index
          %get3A_92 = tpu.vector_load %arg10[%get3A_91] {strides = array<i32>} : memref<1024xf32, #tpu.memory_space<vmem>>, vector<16xf32>,
          %get3A_93 = vector.shape_cast %get3A_92 : vector<16xf32> to vector<16xf32>
          %mul3A_94 = arith.mulf %get3A_93, %get3A_31 : vector<16xf32>
          %get3A_95 = arith.index_cast %add3A_28 : i32 to index
          %get3A_96 = arith.constant 64 : index
          %get3A_97 = tpu.vector_load %arg7[%get3A_95, %get3A_96] {strides = array<i32>} : memref<64x1024xf32, #tpu.memory_space<vmem>>, vector<1x16xf32>,
          %get3A_98 = vector.shape_cast %get3A_97 : vector<1x16xf32> to vector<16xf32>
          %add3A_99 = arith.addf %mul3A_94, %get3A_98 : vector<16xf32>
          %swap3A_100 = arith.index_cast %scan3A_25 : i32 to index
          %swap3A_101 = arith.constant 64 : index
          %swap3A_102 = tpu.vector_load %arg11[%swap3A_100, %swap3A_101] {strides = array<i32>} : memref<32x1024xf32, #tpu.memory_space<vmem>>, vector<1x16xf32>,
          %swap3A_103 = vector.shape_cast %swap3A_102 : vector<1x16xf32> to vector<16xf32>
          %swap3A_104 = vector.shape_cast %add3A_99 : vector<16xf32> to vector<1x16xf32>
          tpu.vector_store %arg11[%swap3A_100, %swap3A_101], %swap3A_104 {strides = array<i32>} : memref<32x1024xf32, #tpu.memory_space<vmem>>, vector<1x16xf32>,
          %get3A_105 = arith.constant 80 : index
          %get3A_106 = tpu.vector_load %arg10[%get3A_105] {strides = array<i32>} : memref<1024xf32, #tpu.memory_space<vmem>>, vector<16xf32>,
          %get3A_107 = vector.shape_cast %get3A_106 : vector<16xf32> to vector<16xf32>
          %mul3A_108 = arith.mulf %get3A_107, %get3A_31 : vector<16xf32>
          %get3A_109 = arith.index_cast %add3A_28 : i32 to index
          %get3A_110 = arith.constant 80 : index
          %get3A_111 = tpu.vector_load %arg7[%get3A_109, %get3A_110] {strides = array<i32>} : memref<64x1024xf32, #tpu.memory_space<vmem>>, vector<1x16xf32>,
          %get3A_112 = vector.shape_cast %get3A_111 : vector<1x16xf32> to vector<16xf32>
          %add3A_113 = arith.addf %mul3A_108, %get3A_112 : vector<16xf32>
          %swap3A_114 = arith.index_cast %scan3A_25 : i32 to index
          %swap3A_115 = arith.constant 80 : index
          %swap3A_116 = tpu.vector_load %arg11[%swap3A_114, %swap3A_115] {strides = array<i32>} : memref<32x1024xf32, #tpu.memory_space<vmem>>, vector<1x16xf32>,
          %swap3A_117 = vector.shape_cast %swap3A_116 : vector<1x16xf32> to vector<16xf32>
          %swap3A_118 = vector.shape_cast %add3A_113 : vector<16xf32> to vector<1x16xf32>
          tpu.vector_store %arg11[%swap3A_114, %swap3A_115], %swap3A_118 {strides = array<i32>} : memref<32x1024xf32, #tpu.memory_space<vmem>>, vector<1x16xf32>,
          %get3A_119 = arith.constant 96 : index
          %get3A_120 = tpu.vector_load %arg10[%get3A_119] {strides = array<i32>} : memref<1024xf32, #tpu.memory_space<vmem>>, vector<16xf32>,
          %get3A_121 = vector.shape_cast %get3A_120 : vector<16xf32> to vector<16xf32>
          %mul3A_122 = arith.mulf %get3A_121, %get3A_31 : vector<16xf32>
          %get3A_123 = arith.index_cast %add3A_28 : i32 to index
          %get3A_124 = arith.constant 96 : index
          %get3A_125 = tpu.vector_load %arg7[%get3A_123, %get3A_124] {strides = array<i32>} : memref<64x1024xf32, #tpu.memory_space<vmem>>, vector<1x16xf32>,
          %get3A_126 = vector.shape_cast %get3A_125 : vector<1x16xf32> to vector<16xf32>
          %add3A_127 = arith.addf %mul3A_122, %get3A_126 : vector<16xf32>
          %swap3A_128 = arith.index_cast %scan3A_25 : i32 to index
          %swap3A_129 = arith.constant 96 : index
          %swap3A_130 = tpu.vector_load %arg11[%swap3A_128, %swap3A_129] {strides = array<i32>} : memref<32x1024xf32, #tpu.memory_space<vmem>>, vector<1x16xf32>,
          %swap3A_131 = vector.shape_cast %swap3A_130 : vector<1x16xf32> to vector<16xf32>
          %swap3A_132 = vector.shape_cast %add3A_127 : vector<16xf32> to vector<1x16xf32>
          tpu.vector_store %arg11[%swap3A_128, %swap3A_129], %swap3A_132 {strides = array<i32>} : memref<32x1024xf32, #tpu.memory_space<vmem>>, vector<1x16xf32>,
          %get3A_133 = arith.constant 112 : index
          %get3A_134 = tpu.vector_load %arg10[%get3A_133] {strides = array<i32>} : memref<1024xf32, #tpu.memory_space<vmem>>, vector<16xf32>,
          %get3A_135 = vector.shape_cast %get3A_134 : vector<16xf32> to vector<16xf32>
          %mul3A_136 = arith.mulf %get3A_135, %get3A_31 : vector<16xf32>
          %get3A_137 = arith.index_cast %add3A_28 : i32 to index
          %get3A_138 = arith.constant 112 : index
          %get3A_139 = tpu.vector_load %arg7[%get3A_137, %get3A_138] {strides = array<i32>} : memref<64x1024xf32, #tpu.memory_space<vmem>>, vector<1x16xf32>,
          %get3A_140 = vector.shape_cast %get3A_139 : vector<1x16xf32> to vector<16xf32>
          %add3A_141 = arith.addf %mul3A_136, %get3A_140 : vector<16xf32>
          %swap3A_142 = arith.index_cast %scan3A_25 : i32 to index
          %swap3A_143 = arith.constant 112 : index
          %swap3A_144 = tpu.vector_load %arg11[%swap3A_142, %swap3A_143] {strides = array<i32>} : memref<32x1024xf32, #tpu.memory_space<vmem>>, vector<1x16xf32>,
          %swap3A_145 = vector.shape_cast %swap3A_144 : vector<1x16xf32> to vector<16xf32>
          %swap3A_146 = vector.shape_cast %add3A_141 : vector<16xf32> to vector<1x16xf32>
          tpu.vector_store %arg11[%swap3A_142, %swap3A_143], %swap3A_146 {strides = array<i32>} : memref<32x1024xf32, #tpu.memory_space<vmem>>, vector<1x16xf32>,
          %get3A_147 = arith.constant 128 : index
          %get3A_148 = tpu.vector_load %arg10[%get3A_147] {strides = array<i32>} : memref<1024xf32, #tpu.memory_space<vmem>>, vector<16xf32>,
          %get3A_149 = vector.shape_cast %get3A_148 : vector<16xf32> to vector<16xf32>
          %mul3A_150 = arith.mulf %get3A_149, %get3A_31 : vector<16xf32>
          %get3A_151 = arith.index_cast %add3A_28 : i32 to index
          %get3A_152 = arith.constant 128 : index
          %get3A_153 = tpu.vector_load %arg7[%get3A_151, %get3A_152] {strides = array<i32>} : memref<64x1024xf32, #tpu.memory_space<vmem>>, vector<1x16xf32>,
          %get3A_154 = vector.shape_cast %get3A_153 : vector<1x16xf32> to vector<16xf32>
          %add3A_155 = arith.addf %mul3A_150, %get3A_154 : vector<16xf32>
          %swap3A_156 = arith.index_cast %scan3A_25 : i32 to index
          %swap3A_157 = arith.constant 128 : index
          %swap3A_158 = tpu.vector_load %arg11[%swap3A_156, %swap3A_157] {strides = array<i32>} : memref<32x1024xf32, #tpu.memory_space<vmem>>, vector<1x16xf32>,
          %swap3A_159 = vector.shape_cast %swap3A_158 : vector<1x16xf32> to vector<16xf32>
          %swap3A_160 = vector.shape_cast %add3A_155 : vector<16xf32> to vector<1x16xf32>
          tpu.vector_store %arg11[%swap3A_156, %swap3A_157], %swap3A_160 {strides = array<i32>} : memref<32x1024xf32, #tpu.memory_space<vmem>>, vector<1x16xf32>,
          %get3A_161 = arith.constant 144 : index
          %get3A_162 = tpu.vector_load %arg10[%get3A_161] {strides = array<i32>} : memref<1024xf32, #tpu.memory_space<vmem>>, vector<16xf32>,
          %get3A_163 = vector.shape_cast %get3A_162 : vector<16xf32> to vector<16xf32>
          %mul3A_164 = arith.mulf %get3A_163, %get3A_31 : vector<16xf32>
          %get3A_165 = arith.index_cast %add3A_28 : i32 to index
          %get3A_166 = arith.constant 144 : index
          %get3A_167 = tpu.vector_load %arg7[%get3A_165, %get3A_166] {strides = array<i32>} : memref<64x1024xf32, #tpu.memory_space<vmem>>, vector<1x16xf32>,
          %get3A_168 = vector.shape_cast %get3A_167 : vector<1x16xf32> to vector<16xf32>
          %add3A_169 = arith.addf %mul3A_164, %get3A_168 : vector<16xf32>
          %swap3A_170 = arith.index_cast %scan3A_25 : i32 to index
          %swap3A_171 = arith.constant 144 : index
          %swap3A_172 = tpu.vector_load %arg11[%swap3A_170, %swap3A_171] {strides = array<i32>} : memref<32x1024xf32, #tpu.memory_space<vmem>>, vector<1x16xf32>,
          %swap3A_173 = vector.shape_cast %swap3A_172 : vector<1x16xf32> to vector<16xf32>
          %swap3A_174 = vector.shape_cast %add3A_169 : vector<16xf32> to vector<1x16xf32>
          tpu.vector_store %arg11[%swap3A_170, %swap3A_171], %swap3A_174 {strides = array<i32>} : memref<32x1024xf32, #tpu.memory_space<vmem>>, vector<1x16xf32>,
          %get3A_175 = arith.constant 160 : index
          %get3A_176 = tpu.vector_load %arg10[%get3A_175] {strides = array<i32>} : memref<1024xf32, #tpu.memory_space<vmem>>, vector<16xf32>,
          %get3A_177 = vector.shape_cast %get3A_176 : vector<16xf32> to vector<16xf32>
          %mul3A_178 = arith.mulf %get3A_177, %get3A_31 : vector<16xf32>
          %get3A_179 = arith.index_cast %add3A_28 : i32 to index
          %get3A_180 = arith.constant 160 : index
          %get3A_181 = tpu.vector_load %arg7[%get3A_179, %get3A_180] {strides = array<i32>} : memref<64x1024xf32, #tpu.memory_space<vmem>>, vector<1x16xf32>,
          %get3A_182 = vector.shape_cast %get3A_181 : vector<1x16xf32> to vector<16xf32>
          %add3A_183 = arith.addf %mul3A_178, %get3A_182 : vector<16xf32>
          %swap3A_184 = arith.index_cast %scan3A_25 : i32 to index
          %swap3A_185 = arith.constant 160 : index
          %swap3A_186 = tpu.vector_load %arg11[%swap3A_184, %swap3A_185] {strides = array<i32>} : memref<32x1024xf32, #tpu.memory_space<vmem>>, vector<1x16xf32>,
          %swap3A_187 = vector.shape_cast %swap3A_186 : vector<1x16xf32> to vector<16xf32>
          %swap3A_188 = vector.shape_cast %add3A_183 : vector<16xf32> to vector<1x16xf32>
          tpu.vector_store %arg11[%swap3A_184, %swap3A_185], %swap3A_188 {strides = array<i32>} : memref<32x1024xf32, #tpu.memory_space<vmem>>, vector<1x16xf32>,
          %get3A_189 = arith.constant 176 : index
          %get3A_190 = tpu.vector_load %arg10[%get3A_189] {strides = array<i32>} : memref<1024xf32, #tpu.memory_space<vmem>>, vector<16xf32>,
          %get3A_191 = vector.shape_cast %get3A_190 : vector<16xf32> to vector<16xf32>
          %mul3A_192 = arith.mulf %get3A_191, %get3A_31 : vector<16xf32>
          %get3A_193 = arith.index_cast %add3A_28 : i32 to index
          %get3A_194 = arith.constant 176 : index
          %get3A_195 = tpu.vector_load %arg7[%get3A_193, %get3A_194] {strides = array<i32>} : memref<64x1024xf32, #tpu.memory_space<vmem>>, vector<1x16xf32>,
          %get3A_196 = vector.shape_cast %get3A_195 : vector<1x16xf32> to vector<16xf32>
          %add3A_197 = arith.addf %mul3A_192, %get3A_196 : vector<16xf32>
          %swap3A_198 = arith.index_cast %scan3A_25 : i32 to index
          %swap3A_199 = arith.constant 176 : index
          %swap3A_200 = tpu.vector_load %arg11[%swap3A_198, %swap3A_199] {strides = array<i32>} : memref<32x1024xf32, #tpu.memory_space<vmem>>, vector<1x16xf32>,
          %swap3A_201 = vector.shape_cast %swap3A_200 : vector<1x16xf32> to vector<16xf32>
          %swap3A_202 = vector.shape_cast %add3A_197 : vector<16xf32> to vector<1x16xf32>
          tpu.vector_store %arg11[%swap3A_198, %swap3A_199], %swap3A_202 {strides = array<i32>} : memref<32x1024xf32, #tpu.memory_space<vmem>>, vector<1x16xf32>,
          %get3A_203 = arith.constant 192 : index
          %get3A_204 = tpu.vector_load %arg10[%get3A_203] {strides = array<i32>} : memref<1024xf32, #tpu.memory_space<vmem>>, vector<16xf32>,
          %get3A_205 = vector.shape_cast %get3A_204 : vector<16xf32> to vector<16xf32>
          %mul3A_206 = arith.mulf %get3A_205, %get3A_31 : vector<16xf32>
          %get3A_207 = arith.index_cast %add3A_28 : i32 to index
          %get3A_208 = arith.constant 192 : index
          %get3A_209 = tpu.vector_load %arg7[%get3A_207, %get3A_208] {strides = array<i32>} : memref<64x1024xf32, #tpu.memory_space<vmem>>, vector<1x16xf32>,
          %get3A_210 = vector.shape_cast %get3A_209 : vector<1x16xf32> to vector<16xf32>
          %add3A_211 = arith.addf %mul3A_206, %get3A_210 : vector<16xf32>
          %swap3A_212 = arith.index_cast %scan3A_25 : i32 to index
          %swap3A_213 = arith.constant 192 : index
          %swap3A_214 = tpu.vector_load %arg11[%swap3A_212, %swap3A_213] {strides = array<i32>} : memref<32x1024xf32, #tpu.memory_space<vmem>>, vector<1x16xf32>,
          %swap3A_215 = vector.shape_cast %swap3A_214 : vector<1x16xf32> to vector<16xf32>
          %swap3A_216 = vector.shape_cast %add3A_211 : vector<16xf32> to vector<1x16xf32>
          tpu.vector_store %arg11[%swap3A_212, %swap3A_213], %swap3A_216 {strides = array<i32>} : memref<32x1024xf32, #tpu.memory_space<vmem>>, vector<1x16xf32>,
          %get3A_217 = arith.constant 208 : index
          %get3A_218 = tpu.vector_load %arg10[%get3A_217] {strides = array<i32>} : memref<1024xf32, #tpu.memory_space<vmem>>, vector<16xf32>,
          %get3A_219 = vector.shape_cast %get3A_218 : vector<16xf32> to vector<16xf32>
          %mul3A_220 = arith.mulf %get3A_219, %get3A_31 : vector<16xf32>
          %get3A_221 = arith.index_cast %add3A_28 : i32 to index
          %get3A_222 = arith.constant 208 : index
          %get3A_223 = tpu.vector_load %arg7[%get3A_221, %get3A_222] {strides = array<i32>} : memref<64x1024xf32, #tpu.memory_space<vmem>>, vector<1x16xf32>,
          %get3A_224 = vector.shape_cast %get3A_223 : vector<1x16xf32> to vector<16xf32>
          %add3A_225 = arith.addf %mul3A_220, %get3A_224 : vector<16xf32>
          %swap3A_226 = arith.index_cast %scan3A_25 : i32 to index
          %swap3A_227 = arith.constant 208 : index
          %swap3A_228 = tpu.vector_load %arg11[%swap3A_226, %swap3A_227] {strides = array<i32>} : memref<32x1024xf32, #tpu.memory_space<vmem>>, vector<1x16xf32>,
          %swap3A_229 = vector.shape_cast %swap3A_228 : vector<1x16xf32> to vector<16xf32>
          %swap3A_230 = vector.shape_cast %add3A_225 : vector<16xf32> to vector<1x16xf32>
          tpu.vector_store %arg11[%swap3A_226, %swap3A_227], %swap3A_230 {strides = array<i32>} : memref<32x1024xf32, #tpu.memory_space<vmem>>, vector<1x16xf32>,
          %get3A_231 = arith.constant 224 : index
          %get3A_232 = tpu.vector_load %arg10[%get3A_231] {strides = array<i32>} : memref<1024xf32, #tpu.memory_space<vmem>>, vector<16xf32>,
          %get3A_233 = vector.shape_cast %get3A_232 : vector<16xf32> to vector<16xf32>
          %mul3A_234 = arith.mulf %get3A_233, %get3A_31 : vector<16xf32>
          %get3A_235 = arith.index_cast %add3A_28 : i32 to index
          %get3A_236 = arith.constant 224 : index
          %get3A_237 = tpu.vector_load %arg7[%get3A_235, %get3A_236] {strides = array<i32>} : memref<64x1024xf32, #tpu.memory_space<vmem>>, vector<1x16xf32>,
          %get3A_238 = vector.shape_cast %get3A_237 : vector<1x16xf32> to vector<16xf32>
          %add3A_239 = arith.addf %mul3A_234, %get3A_238 : vector<16xf32>
          %swap3A_240 = arith.index_cast %scan3A_25 : i32 to index
          %swap3A_241 = arith.constant 224 : index
          %swap3A_242 = tpu.vector_load %arg11[%swap3A_240, %swap3A_241] {strides = array<i32>} : memref<32x1024xf32, #tpu.memory_space<vmem>>, vector<1x16xf32>,
          %swap3A_243 = vector.shape_cast %swap3A_242 : vector<1x16xf32> to vector<16xf32>
          %swap3A_244 = vector.shape_cast %add3A_239 : vector<16xf32> to vector<1x16xf32>
          tpu.vector_store %arg11[%swap3A_240, %swap3A_241], %swap3A_244 {strides = array<i32>} : memref<32x1024xf32, #tpu.memory_space<vmem>>, vector<1x16xf32>,
          %get3A_245 = arith.constant 240 : index
          %get3A_246 = tpu.vector_load %arg10[%get3A_245] {strides = array<i32>} : memref<1024xf32, #tpu.memory_space<vmem>>, vector<16xf32>,
          %get3A_247 = vector.shape_cast %get3A_246 : vector<16xf32> to vector<16xf32>
          %mul3A_248 = arith.mulf %get3A_247, %get3A_31 : vector<16xf32>
          %get3A_249 = arith.index_cast %add3A_28 : i32 to index
          %get3A_250 = arith.constant 240 : index
          %get3A_251 = tpu.vector_load %arg7[%get3A_249, %get3A_250] {strides = array<i32>} : memref<64x1024xf32, #tpu.memory_space<vmem>>, vector<1x16xf32>,
          %get3A_252 = vector.shape_cast %get3A_251 : vector<1x16xf32> to vector<16xf32>
          %add3A_253 = arith.addf %mul3A_248, %get3A_252 : vector<16xf32>
          %swap3A_254 = arith.index_cast %scan3A_25 : i32 to index
          %swap3A_255 = arith.constant 240 : index
          %swap3A_256 = tpu.vector_load %arg11[%swap3A_254, %swap3A_255] {strides = array<i32>} : memref<32x1024xf32, #tpu.memory_space<vmem>>, vector<1x16xf32>,
          %swap3A_257 = vector.shape_cast %swap3A_256 : vector<1x16xf32> to vector<16xf32>
          %swap3A_258 = vector.shape_cast %add3A_253 : vector<16xf32> to vector<1x16xf32>
          tpu.vector_store %arg11[%swap3A_254, %swap3A_255], %swap3A_258 {strides = array<i32>} : memref<32x1024xf32, #tpu.memory_space<vmem>>, vector<1x16xf32>,
          %get3A_259 = arith.constant 256 : index
          %get3A_260 = tpu.vector_load %arg10[%get3A_259] {strides = array<i32>} : memref<1024xf32, #tpu.memory_space<vmem>>, vector<16xf32>,
          %get3A_261 = vector.shape_cast %get3A_260 : vector<16xf32> to vector<16xf32>
          %mul3A_262 = arith.mulf %get3A_261, %get3A_31 : vector<16xf32>
          %get3A_263 = arith.index_cast %add3A_28 : i32 to index
          %get3A_264 = arith.constant 256 : index
          %get3A_265 = tpu.vector_load %arg7[%get3A_263, %get3A_264] {strides = array<i32>} : memref<64x1024xf32, #tpu.memory_space<vmem>>, vector<1x16xf32>,
          %get3A_266 = vector.shape_cast %get3A_265 : vector<1x16xf32> to vector<16xf32>
          %add3A_267 = arith.addf %mul3A_262, %get3A_266 : vector<16xf32>
          %swap3A_268 = arith.index_cast %scan3A_25 : i32 to index
          %swap3A_269 = arith.constant 256 : index
          %swap3A_270 = tpu.vector_load %arg11[%swap3A_268, %swap3A_269] {strides = array<i32>} : memref<32x1024xf32, #tpu.memory_space<vmem>>, vector<1x16xf32>,
          %swap3A_271 = vector.shape_cast %swap3A_270 : vector<1x16xf32> to vector<16xf32>
          %swap3A_272 = vector.shape_cast %add3A_267 : vector<16xf32> to vector<1x16xf32>
          tpu.vector_store %arg11[%swap3A_268, %swap3A_269], %swap3A_272 {strides = array<i32>} : memref<32x1024xf32, #tpu.memory_space<vmem>>, vector<1x16xf32>,
          %get3A_273 = arith.constant 272 : index
          %get3A_274 = tpu.vector_load %arg10[%get3A_273] {strides = array<i32>} : memref<1024xf32, #tpu.memory_space<vmem>>, vector<16xf32>,
          %get3A_275 = vector.shape_cast %get3A_274 : vector<16xf32> to vector<16xf32>
          %mul3A_276 = arith.mulf %get3A_275, %get3A_31 : vector<16xf32>
          %get3A_277 = arith.index_cast %add3A_28 : i32 to index
          %get3A_278 = arith.constant 272 : index
          %get3A_279 = tpu.vector_load %arg7[%get3A_277, %get3A_278] {strides = array<i32>} : memref<64x1024xf32, #tpu.memory_space<vmem>>, vector<1x16xf32>,
          %get3A_280 = vector.shape_cast %get3A_279 : vector<1x16xf32> to vector<16xf32>
          %add3A_281 = arith.addf %mul3A_276, %get3A_280 : vector<16xf32>
          %swap3A_282 = arith.index_cast %scan3A_25 : i32 to index
          %swap3A_283 = arith.constant 272 : index
          %swap3A_284 = tpu.vector_load %arg11[%swap3A_282, %swap3A_283] {strides = array<i32>} : memref<32x1024xf32, #tpu.memory_space<vmem>>, vector<1x16xf32>,
          %swap3A_285 = vector.shape_cast %swap3A_284 : vector<1x16xf32> to vector<16xf32>
          %swap3A_286 = vector.shape_cast %add3A_281 : vector<16xf32> to vector<1x16xf32>
          tpu.vector_store %arg11[%swap3A_282, %swap3A_283], %swap3A_286 {strides = array<i32>} : memref<32x1024xf32, #tpu.memory_space<vmem>>, vector<1x16xf32>,
          %get3A_287 = arith.constant 288 : index
          %get3A_288 = tpu.vector_load %arg10[%get3A_287] {strides = array<i32>} : memref<1024xf32, #tpu.memory_space<vmem>>, vector<16xf32>,
          %get3A_289 = vector.shape_cast %get3A_288 : vector<16xf32> to vector<16xf32>
          %mul3A_290 = arith.mulf %get3A_289, %get3A_31 : vector<16xf32>
          %get3A_291 = arith.index_cast %add3A_28 : i32 to index
          %get3A_292 = arith.constant 288 : index
          %get3A_293 = tpu.vector_load %arg7[%get3A_291, %get3A_292] {strides = array<i32>} : memref<64x1024xf32, #tpu.memory_space<vmem>>, vector<1x16xf32>,
          %get3A_294 = vector.shape_cast %get3A_293 : vector<1x16xf32> to vector<16xf32>
          %add3A_295 = arith.addf %mul3A_290, %get3A_294 : vector<16xf32>
          %swap3A_296 = arith.index_cast %scan3A_25 : i32 to index
          %swap3A_297 = arith.constant 288 : index
          %swap3A_298 = tpu.vector_load %arg11[%swap3A_296, %swap3A_297] {strides = array<i32>} : memref<32x1024xf32, #tpu.memory_space<vmem>>, vector<1x16xf32>,
          %swap3A_299 = vector.shape_cast %swap3A_298 : vector<1x16xf32> to vector<16xf32>
          %swap3A_300 = vector.shape_cast %add3A_295 : vector<16xf32> to vector<1x16xf32>
          tpu.vector_store %arg11[%swap3A_296, %swap3A_297], %swap3A_300 {strides = array<i32>} : memref<32x1024xf32, #tpu.memory_space<vmem>>, vector<1x16xf32>,
          %get3A_301 = arith.constant 304 : index
          %get3A_302 = tpu.vector_load %arg10[%get3A_301] {strides = array<i32>} : memref<1024xf32, #tpu.memory_space<vmem>>, vector<16xf32>,
          %get3A_303 = vector.shape_cast %get3A_302 : vector<16xf32> to vector<16xf32>
          %mul3A_304 = arith.mulf %get3A_303, %get3A_31 : vector<16xf32>
          %get3A_305 = arith.index_cast %add3A_28 : i32 to index
          %get3A_306 = arith.constant 304 : index
          %get3A_307 = tpu.vector_load %arg7[%get3A_305, %get3A_306] {strides = array<i32>} : memref<64x1024xf32, #tpu.memory_space<vmem>>, vector<1x16xf32>,
          %get3A_308 = vector.shape_cast %get3A_307 : vector<1x16xf32> to vector<16xf32>
          %add3A_309 = arith.addf %mul3A_304, %get3A_308 : vector<16xf32>
          %swap3A_310 = arith.index_cast %scan3A_25 : i32 to index
          %swap3A_311 = arith.constant 304 : index
          %swap3A_312 = tpu.vector_load %arg11[%swap3A_310, %swap3A_311] {strides = array<i32>} : memref<32x1024xf32, #tpu.memory_space<vmem>>, vector<1x16xf32>,
          %swap3A_313 = vector.shape_cast %swap3A_312 : vector<1x16xf32> to vector<16xf32>
          %swap3A_314 = vector.shape_cast %add3A_309 : vector<16xf32> to vector<1x16xf32>
          tpu.vector_store %arg11[%swap3A_310, %swap3A_311], %swap3A_314 {strides = array<i32>} : memref<32x1024xf32, #tpu.memory_space<vmem>>, vector<1x16xf32>,
          %get3A_315 = arith.constant 320 : index
          %get3A_316 = tpu.vector_load %arg10[%get3A_315] {strides = array<i32>} : memref<1024xf32, #tpu.memory_space<vmem>>, vector<16xf32>,
          %get3A_317 = vector.shape_cast %get3A_316 : vector<16xf32> to vector<16xf32>
          %mul3A_318 = arith.mulf %get3A_317, %get3A_31 : vector<16xf32>
          %get3A_319 = arith.index_cast %add3A_28 : i32 to index
          %get3A_320 = arith.constant 320 : index
          %get3A_321 = tpu.vector_load %arg7[%get3A_319, %get3A_320] {strides = array<i32>} : memref<64x1024xf32, #tpu.memory_space<vmem>>, vector<1x16xf32>,
          %get3A_322 = vector.shape_cast %get3A_321 : vector<1x16xf32> to vector<16xf32>
          %add3A_323 = arith.addf %mul3A_318, %get3A_322 : vector<16xf32>
          %swap3A_324 = arith.index_cast %scan3A_25 : i32 to index
          %swap3A_325 = arith.constant 320 : index
          %swap3A_326 = tpu.vector_load %arg11[%swap3A_324, %swap3A_325] {strides = array<i32>} : memref<32x1024xf32, #tpu.memory_space<vmem>>, vector<1x16xf32>,
          %swap3A_327 = vector.shape_cast %swap3A_326 : vector<1x16xf32> to vector<16xf32>
          %swap3A_328 = vector.shape_cast %add3A_323 : vector<16xf32> to vector<1x16xf32>
          tpu.vector_store %arg11[%swap3A_324, %swap3A_325], %swap3A_328 {strides = array<i32>} : memref<32x1024xf32, #tpu.memory_space<vmem>>, vector<1x16xf32>,
          %get3A_329 = arith.constant 336 : index
          %get3A_330 = tpu.vector_load %arg10[%get3A_329] {strides = array<i32>} : memref<1024xf32, #tpu.memory_space<vmem>>, vector<16xf32>,
          %get3A_331 = vector.shape_cast %get3A_330 : vector<16xf32> to vector<16xf32>
          %mul3A_332 = arith.mulf %get3A_331, %get3A_31 : vector<16xf32>
          %get3A_333 = arith.index_cast %add3A_28 : i32 to index
          %get3A_334 = arith.constant 336 : index
          %get3A_335 = tpu.vector_load %arg7[%get3A_333, %get3A_334] {strides = array<i32>} : memref<64x1024xf32, #tpu.memory_space<vmem>>, vector<1x16xf32>,
          %get3A_336 = vector.shape_cast %get3A_335 : vector<1x16xf32> to vector<16xf32>
          %add3A_337 = arith.addf %mul3A_332, %get3A_336 : vector<16xf32>
          %swap3A_338 = arith.index_cast %scan3A_25 : i32 to index
          %swap3A_339 = arith.constant 336 : index
          %swap3A_340 = tpu.vector_load %arg11[%swap3A_338, %swap3A_339] {strides = array<i32>} : memref<32x1024xf32, #tpu.memory_space<vmem>>, vector<1x16xf32>,
          %swap3A_341 = vector.shape_cast %swap3A_340 : vector<1x16xf32> to vector<16xf32>
          %swap3A_342 = vector.shape_cast %add3A_337 : vector<16xf32> to vector<1x16xf32>
          tpu.vector_store %arg11[%swap3A_338, %swap3A_339], %swap3A_342 {strides = array<i32>} : memref<32x1024xf32, #tpu.memory_space<vmem>>, vector<1x16xf32>,
          %get3A_343 = arith.constant 352 : index
          %get3A_344 = tpu.vector_load %arg10[%get3A_343] {strides = array<i32>} : memref<1024xf32, #tpu.memory_space<vmem>>, vector<16xf32>,
          %get3A_345 = vector.shape_cast %get3A_344 : vector<16xf32> to vector<16xf32>
          %mul3A_346 = arith.mulf %get3A_345, %get3A_31 : vector<16xf32>
          %get3A_347 = arith.index_cast %add3A_28 : i32 to index
          %get3A_348 = arith.constant 352 : index
          %get3A_349 = tpu.vector_load %arg7[%get3A_347, %get3A_348] {strides = array<i32>} : memref<64x1024xf32, #tpu.memory_space<vmem>>, vector<1x16xf32>,
          %get3A_350 = vector.shape_cast %get3A_349 : vector<1x16xf32> to vector<16xf32>
          %add3A_351 = arith.addf %mul3A_346, %get3A_350 : vector<16xf32>
          %swap3A_352 = arith.index_cast %scan3A_25 : i32 to index
          %swap3A_353 = arith.constant 352 : index
          %swap3A_354 = tpu.vector_load %arg11[%swap3A_352, %swap3A_353] {strides = array<i32>} : memref<32x1024xf32, #tpu.memory_space<vmem>>, vector<1x16xf32>,
          %swap3A_355 = vector.shape_cast %swap3A_354 : vector<1x16xf32> to vector<16xf32>
          %swap3A_356 = vector.shape_cast %add3A_351 : vector<16xf32> to vector<1x16xf32>
          tpu.vector_store %arg11[%swap3A_352, %swap3A_353], %swap3A_356 {strides = array<i32>} : memref<32x1024xf32, #tpu.memory_space<vmem>>, vector<1x16xf32>,
          %get3A_357 = arith.constant 368 : index
          %get3A_358 = tpu.vector_load %arg10[%get3A_357] {strides = array<i32>} : memref<1024xf32, #tpu.memory_space<vmem>>, vector<16xf32>,
          %get3A_359 = vector.shape_cast %get3A_358 : vector<16xf32> to vector<16xf32>
          %mul3A_360 = arith.mulf %get3A_359, %get3A_31 : vector<16xf32>
          %get3A_361 = arith.index_cast %add3A_28 : i32 to index
          %get3A_362 = arith.constant 368 : index
          %get3A_363 = tpu.vector_load %arg7[%get3A_361, %get3A_362] {strides = array<i32>} : memref<64x1024xf32, #tpu.memory_space<vmem>>, vector<1x16xf32>,
          %get3A_364 = vector.shape_cast %get3A_363 : vector<1x16xf32> to vector<16xf32>
          %add3A_365 = arith.addf %mul3A_360, %get3A_364 : vector<16xf32>
          %swap3A_366 = arith.index_cast %scan3A_25 : i32 to index
          %swap3A_367 = arith.constant 368 : index
          %swap3A_368 = tpu.vector_load %arg11[%swap3A_366, %swap3A_367] {strides = array<i32>} : memref<32x1024xf32, #tpu.memory_space<vmem>>, vector<1x16xf32>,
          %swap3A_369 = vector.shape_cast %swap3A_368 : vector<1x16xf32> to vector<16xf32>
          %swap3A_370 = vector.shape_cast %add3A_365 : vector<16xf32> to vector<1x16xf32>
          tpu.vector_store %arg11[%swap3A_366, %swap3A_367], %swap3A_370 {strides = array<i32>} : memref<32x1024xf32, #tpu.memory_space<vmem>>, vector<1x16xf32>,
          %get3A_371 = arith.constant 384 : index
          %get3A_372 = tpu.vector_load %arg10[%get3A_371] {strides = array<i32>} : memref<1024xf32, #tpu.memory_space<vmem>>, vector<16xf32>,
          %get3A_373 = vector.shape_cast %get3A_372 : vector<16xf32> to vector<16xf32>
          %mul3A_374 = arith.mulf %get3A_373, %get3A_31 : vector<16xf32>
          %get3A_375 = arith.index_cast %add3A_28 : i32 to index
          %get3A_376 = arith.constant 384 : index
          %get3A_377 = tpu.vector_load %arg7[%get3A_375, %get3A_376] {strides = array<i32>} : memref<64x1024xf32, #tpu.memory_space<vmem>>, vector<1x16xf32>,
          %get3A_378 = vector.shape_cast %get3A_377 : vector<1x16xf32> to vector<16xf32>
          %add3A_379 = arith.addf %mul3A_374, %get3A_378 : vector<16xf32>
          %swap3A_380 = arith.index_cast %scan3A_25 : i32 to index
          %swap3A_381 = arith.constant 384 : index
          %swap3A_382 = tpu.vector_load %arg11[%swap3A_380, %swap3A_381] {strides = array<i32>} : memref<32x1024xf32, #tpu.memory_space<vmem>>, vector<1x16xf32>,
          %swap3A_383 = vector.shape_cast %swap3A_382 : vector<1x16xf32> to vector<16xf32>
          %swap3A_384 = vector.shape_cast %add3A_379 : vector<16xf32> to vector<1x16xf32>
          tpu.vector_store %arg11[%swap3A_380, %swap3A_381], %swap3A_384 {strides = array<i32>} : memref<32x1024xf32, #tpu.memory_space<vmem>>, vector<1x16xf32>,
          %get3A_385 = arith.constant 400 : index
          %get3A_386 = tpu.vector_load %arg10[%get3A_385] {strides = array<i32>} : memref<1024xf32, #tpu.memory_space<vmem>>, vector<16xf32>,
          %get3A_387 = vector.shape_cast %get3A_386 : vector<16xf32> to vector<16xf32>
          %mul3A_388 = arith.mulf %get3A_387, %get3A_31 : vector<16xf32>
          %get3A_389 = arith.index_cast %add3A_28 : i32 to index
          %get3A_390 = arith.constant 400 : index
          %get3A_391 = tpu.vector_load %arg7[%get3A_389, %get3A_390] {strides = array<i32>} : memref<64x1024xf32, #tpu.memory_space<vmem>>, vector<1x16xf32>,
          %get3A_392 = vector.shape_cast %get3A_391 : vector<1x16xf32> to vector<16xf32>
          %add3A_393 = arith.addf %mul3A_388, %get3A_392 : vector<16xf32>
          %swap3A_394 = arith.index_cast %scan3A_25 : i32 to index
          %swap3A_395 = arith.constant 400 : index
          %swap3A_396 = tpu.vector_load %arg11[%swap3A_394, %swap3A_395] {strides = array<i32>} : memref<32x1024xf32, #tpu.memory_space<vmem>>, vector<1x16xf32>,
          %swap3A_397 = vector.shape_cast %swap3A_396 : vector<1x16xf32> to vector<16xf32>
          %swap3A_398 = vector.shape_cast %add3A_393 : vector<16xf32> to vector<1x16xf32>
          tpu.vector_store %arg11[%swap3A_394, %swap3A_395], %swap3A_398 {strides = array<i32>} : memref<32x1024xf32, #tpu.memory_space<vmem>>, vector<1x16xf32>,
          %get3A_399 = arith.constant 416 : index
          %get3A_400 = tpu.vector_load %arg10[%get3A_399] {strides = array<i32>} : memref<1024xf32, #tpu.memory_space<vmem>>, vector<16xf32>,
          %get3A_401 = vector.shape_cast %get3A_400 : vector<16xf32> to vector<16xf32>
          %mul3A_402 = arith.mulf %get3A_401, %get3A_31 : vector<16xf32>
          %get3A_403 = arith.index_cast %add3A_28 : i32 to index
          %get3A_404 = arith.constant 416 : index
          %get3A_405 = tpu.vector_load %arg7[%get3A_403, %get3A_404] {strides = array<i32>} : memref<64x1024xf32, #tpu.memory_space<vmem>>, vector<1x16xf32>,
          %get3A_406 = vector.shape_cast %get3A_405 : vector<1x16xf32> to vector<16xf32>
          %add3A_407 = arith.addf %mul3A_402, %get3A_406 : vector<16xf32>
          %swap3A_408 = arith.index_cast %scan3A_25 : i32 to index
          %swap3A_409 = arith.constant 416 : index
          %swap3A_410 = tpu.vector_load %arg11[%swap3A_408, %swap3A_409] {strides = array<i32>} : memref<32x1024xf32, #tpu.memory_space<vmem>>, vector<1x16xf32>,
          %swap3A_411 = vector.shape_cast %swap3A_410 : vector<1x16xf32> to vector<16xf32>
          %swap3A_412 = vector.shape_cast %add3A_407 : vector<16xf32> to vector<1x16xf32>
          tpu.vector_store %arg11[%swap3A_408, %swap3A_409], %swap3A_412 {strides = array<i32>} : memref<32x1024xf32, #tpu.memory_space<vmem>>, vector<1x16xf32>,
          %get3A_413 = arith.constant 432 : index
          %get3A_414 = tpu.vector_load %arg10[%get3A_413] {strides = array<i32>} : memref<1024xf32, #tpu.memory_space<vmem>>, vector<16xf32>,
          %get3A_415 = vector.shape_cast %get3A_414 : vector<16xf32> to vector<16xf32>
          %mul3A_416 = arith.mulf %get3A_415, %get3A_31 : vector<16xf32>
          %get3A_417 = arith.index_cast %add3A_28 : i32 to index
          %get3A_418 = arith.constant 432 : index
          %get3A_419 = tpu.vector_load %arg7[%get3A_417, %get3A_418] {strides = array<i32>} : memref<64x1024xf32, #tpu.memory_space<vmem>>, vector<1x16xf32>,
          %get3A_420 = vector.shape_cast %get3A_419 : vector<1x16xf32> to vector<16xf32>
          %add3A_421 = arith.addf %mul3A_416, %get3A_420 : vector<16xf32>
          %swap3A_422 = arith.index_cast %scan3A_25 : i32 to index
          %swap3A_423 = arith.constant 432 : index
          %swap3A_424 = tpu.vector_load %arg11[%swap3A_422, %swap3A_423] {strides = array<i32>} : memref<32x1024xf32, #tpu.memory_space<vmem>>, vector<1x16xf32>,
          %swap3A_425 = vector.shape_cast %swap3A_424 : vector<1x16xf32> to vector<16xf32>
          %swap3A_426 = vector.shape_cast %add3A_421 : vector<16xf32> to vector<1x16xf32>
          tpu.vector_store %arg11[%swap3A_422, %swap3A_423], %swap3A_426 {strides = array<i32>} : memref<32x1024xf32, #tpu.memory_space<vmem>>, vector<1x16xf32>,
          %get3A_427 = arith.constant 448 : index
          %get3A_428 = tpu.vector_load %arg10[%get3A_427] {strides = array<i32>} : memref<1024xf32, #tpu.memory_space<vmem>>, vector<16xf32>,
          %get3A_429 = vector.shape_cast %get3A_428 : vector<16xf32> to vector<16xf32>
          %mul3A_430 = arith.mulf %get3A_429, %get3A_31 : vector<16xf32>
          %get3A_431 = arith.index_cast %add3A_28 : i32 to index
          %get3A_432 = arith.constant 448 : index
          %get3A_433 = tpu.vector_load %arg7[%get3A_431, %get3A_432] {strides = array<i32>} : memref<64x1024xf32, #tpu.memory_space<vmem>>, vector<1x16xf32>,
          %get3A_434 = vector.shape_cast %get3A_433 : vector<1x16xf32> to vector<16xf32>
          %add3A_435 = arith.addf %mul3A_430, %get3A_434 : vector<16xf32>
          %swap3A_436 = arith.index_cast %scan3A_25 : i32 to index
          %swap3A_437 = arith.constant 448 : index
          %swap3A_438 = tpu.vector_load %arg11[%swap3A_436, %swap3A_437] {strides = array<i32>} : memref<32x1024xf32, #tpu.memory_space<vmem>>, vector<1x16xf32>,
          %swap3A_439 = vector.shape_cast %swap3A_438 : vector<1x16xf32> to vector<16xf32>
          %swap3A_440 = vector.shape_cast %add3A_435 : vector<16xf32> to vector<1x16xf32>
          tpu.vector_store %arg11[%swap3A_436, %swap3A_437], %swap3A_440 {strides = array<i32>} : memref<32x1024xf32, #tpu.memory_space<vmem>>, vector<1x16xf32>,
          %get3A_441 = arith.constant 464 : index
          %get3A_442 = tpu.vector_load %arg10[%get3A_441] {strides = array<i32>} : memref<1024xf32, #tpu.memory_space<vmem>>, vector<16xf32>,
          %get3A_443 = vector.shape_cast %get3A_442 : vector<16xf32> to vector<16xf32>
          %mul3A_444 = arith.mulf %get3A_443, %get3A_31 : vector<16xf32>
          %get3A_445 = arith.index_cast %add3A_28 : i32 to index
          %get3A_446 = arith.constant 464 : index
          %get3A_447 = tpu.vector_load %arg7[%get3A_445, %get3A_446] {strides = array<i32>} : memref<64x1024xf32, #tpu.memory_space<vmem>>, vector<1x16xf32>,
          %get3A_448 = vector.shape_cast %get3A_447 : vector<1x16xf32> to vector<16xf32>
          %add3A_449 = arith.addf %mul3A_444, %get3A_448 : vector<16xf32>
          %swap3A_450 = arith.index_cast %scan3A_25 : i32 to index
          %swap3A_451 = arith.constant 464 : index
          %swap3A_452 = tpu.vector_load %arg11[%swap3A_450, %swap3A_451] {strides = array<i32>} : memref<32x1024xf32, #tpu.memory_space<vmem>>, vector<1x16xf32>,
          %swap3A_453 = vector.shape_cast %swap3A_452 : vector<1x16xf32> to vector<16xf32>
          %swap3A_454 = vector.shape_cast %add3A_449 : vector<16xf32> to vector<1x16xf32>
          tpu.vector_store %arg11[%swap3A_450, %swap3A_451], %swap3A_454 {strides = array<i32>} : memref<32x1024xf32, #tpu.memory_space<vmem>>, vector<1x16xf32>,
          %get3A_455 = arith.constant 480 : index
          %get3A_456 = tpu.vector_load %arg10[%get3A_455] {strides = array<i32>} : memref<1024xf32, #tpu.memory_space<vmem>>, vector<16xf32>,
          %get3A_457 = vector.shape_cast %get3A_456 : vector<16xf32> to vector<16xf32>
          %mul3A_458 = arith.mulf %get3A_457, %get3A_31 : vector<16xf32>
          %get3A_459 = arith.index_cast %add3A_28 : i32 to index
          %get3A_460 = arith.constant 480 : index
          %get3A_461 = tpu.vector_load %arg7[%get3A_459, %get3A_460] {strides = array<i32>} : memref<64x1024xf32, #tpu.memory_space<vmem>>, vector<1x16xf32>,
          %get3A_462 = vector.shape_cast %get3A_461 : vector<1x16xf32> to vector<16xf32>
          %add3A_463 = arith.addf %mul3A_458, %get3A_462 : vector<16xf32>
          %swap3A_464 = arith.index_cast %scan3A_25 : i32 to index
          %swap3A_465 = arith.constant 480 : index
          %swap3A_466 = tpu.vector_load %arg11[%swap3A_464, %swap3A_465] {strides = array<i32>} : memref<32x1024xf32, #tpu.memory_space<vmem>>, vector<1x16xf32>,
          %swap3A_467 = vector.shape_cast %swap3A_466 : vector<1x16xf32> to vector<16xf32>
          %swap3A_468 = vector.shape_cast %add3A_463 : vector<16xf32> to vector<1x16xf32>
          tpu.vector_store %arg11[%swap3A_464, %swap3A_465], %swap3A_468 {strides = array<i32>} : memref<32x1024xf32, #tpu.memory_space<vmem>>, vector<1x16xf32>,
          %get3A_469 = arith.constant 496 : index
          %get3A_470 = tpu.vector_load %arg10[%get3A_469] {strides = array<i32>} : memref<1024xf32, #tpu.memory_space<vmem>>, vector<16xf32>,
          %get3A_471 = vector.shape_cast %get3A_470 : vector<16xf32> to vector<16xf32>
          %mul3A_472 = arith.mulf %get3A_471, %get3A_31 : vector<16xf32>
          %get3A_473 = arith.index_cast %add3A_28 : i32 to index
          %get3A_474 = arith.constant 496 : index
          %get3A_475 = tpu.vector_load %arg7[%get3A_473, %get3A_474] {strides = array<i32>} : memref<64x1024xf32, #tpu.memory_space<vmem>>, vector<1x16xf32>,
          %get3A_476 = vector.shape_cast %get3A_475 : vector<1x16xf32> to vector<16xf32>
          %add3A_477 = arith.addf %mul3A_472, %get3A_476 : vector<16xf32>
          %swap3A_478 = arith.index_cast %scan3A_25 : i32 to index
          %swap3A_479 = arith.constant 496 : index
          %swap3A_480 = tpu.vector_load %arg11[%swap3A_478, %swap3A_479] {strides = array<i32>} : memref<32x1024xf32, #tpu.memory_space<vmem>>, vector<1x16xf32>,
          %swap3A_481 = vector.shape_cast %swap3A_480 : vector<1x16xf32> to vector<16xf32>
          %swap3A_482 = vector.shape_cast %add3A_477 : vector<16xf32> to vector<1x16xf32>
          tpu.vector_store %arg11[%swap3A_478, %swap3A_479], %swap3A_482 {strides = array<i32>} : memref<32x1024xf32, #tpu.memory_space<vmem>>, vector<1x16xf32>,
          %get3A_483 = arith.constant 512 : index
          %get3A_484 = tpu.vector_load %arg10[%get3A_483] {strides = array<i32>} : memref<1024xf32, #tpu.memory_space<vmem>>, vector<16xf32>,
          %get3A_485 = vector.shape_cast %get3A_484 : vector<16xf32> to vector<16xf32>
          %mul3A_486 = arith.mulf %get3A_485, %get3A_35 : vector<16xf32>
          %get3A_487 = arith.index_cast %add3A_28 : i32 to index
          %get3A_488 = arith.constant 512 : index
          %get3A_489 = tpu.vector_load %arg7[%get3A_487, %get3A_488] {strides = array<i32>} : memref<64x1024xf32, #tpu.memory_space<vmem>>, vector<1x16xf32>,
          %get3A_490 = vector.shape_cast %get3A_489 : vector<1x16xf32> to vector<16xf32>
          %add3A_491 = arith.addf %mul3A_486, %get3A_490 : vector<16xf32>
          %swap3A_492 = arith.index_cast %scan3A_25 : i32 to index
          %swap3A_493 = arith.constant 512 : index
          %swap3A_494 = tpu.vector_load %arg11[%swap3A_492, %swap3A_493] {strides = array<i32>} : memref<32x1024xf32, #tpu.memory_space<vmem>>, vector<1x16xf32>,
          %swap3A_495 = vector.shape_cast %swap3A_494 : vector<1x16xf32> to vector<16xf32>
          %swap3A_496 = vector.shape_cast %add3A_491 : vector<16xf32> to vector<1x16xf32>
          tpu.vector_store %arg11[%swap3A_492, %swap3A_493], %swap3A_496 {strides = array<i32>} : memref<32x1024xf32, #tpu.memory_space<vmem>>, vector<1x16xf32>,
          %get3A_497 = arith.constant 528 : index
          %get3A_498 = tpu.vector_load %arg10[%get3A_497] {strides = array<i32>} : memref<1024xf32, #tpu.memory_space<vmem>>, vector<16xf32>,
          %get3A_499 = vector.shape_cast %get3A_498 : vector<16xf32> to vector<16xf32>
          %mul3A_500 = arith.mulf %get3A_499, %get3A_35 : vector<16xf32>
          %get3A_501 = arith.index_cast %add3A_28 : i32 to index
          %get3A_502 = arith.constant 528 : index
          %get3A_503 = tpu.vector_load %arg7[%get3A_501, %get3A_502] {strides = array<i32>} : memref<64x1024xf32, #tpu.memory_space<vmem>>, vector<1x16xf32>,
          %get3A_504 = vector.shape_cast %get3A_503 : vector<1x16xf32> to vector<16xf32>
          %add3A_505 = arith.addf %mul3A_500, %get3A_504 : vector<16xf32>
          %swap3A_506 = arith.index_cast %scan3A_25 : i32 to index
          %swap3A_507 = arith.constant 528 : index
          %swap3A_508 = tpu.vector_load %arg11[%swap3A_506, %swap3A_507] {strides = array<i32>} : memref<32x1024xf32, #tpu.memory_space<vmem>>, vector<1x16xf32>,
          %swap3A_509 = vector.shape_cast %swap3A_508 : vector<1x16xf32> to vector<16xf32>
          %swap3A_510 = vector.shape_cast %add3A_505 : vector<16xf32> to vector<1x16xf32>
          tpu.vector_store %arg11[%swap3A_506, %swap3A_507], %swap3A_510 {strides = array<i32>} : memref<32x1024xf32, #tpu.memory_space<vmem>>, vector<1x16xf32>,
          %get3A_511 = arith.constant 544 : index
          %get3A_512 = tpu.vector_load %arg10[%get3A_511] {strides = array<i32>} : memref<1024xf32, #tpu.memory_space<vmem>>, vector<16xf32>,
          %get3A_513 = vector.shape_cast %get3A_512 : vector<16xf32> to vector<16xf32>
          %mul3A_514 = arith.mulf %get3A_513, %get3A_35 : vector<16xf32>
          %get3A_515 = arith.index_cast %add3A_28 : i32 to index
          %get3A_516 = arith.constant 544 : index
          %get3A_517 = tpu.vector_load %arg7[%get3A_515, %get3A_516] {strides = array<i32>} : memref<64x1024xf32, #tpu.memory_space<vmem>>, vector<1x16xf32>,
          %get3A_518 = vector.shape_cast %get3A_517 : vector<1x16xf32> to vector<16xf32>
          %add3A_519 = arith.addf %mul3A_514, %get3A_518 : vector<16xf32>
          %swap3A_520 = arith.index_cast %scan3A_25 : i32 to index
          %swap3A_521 = arith.constant 544 : index
          %swap3A_522 = tpu.vector_load %arg11[%swap3A_520, %swap3A_521] {strides = array<i32>} : memref<32x1024xf32, #tpu.memory_space<vmem>>, vector<1x16xf32>,
          %swap3A_523 = vector.shape_cast %swap3A_522 : vector<1x16xf32> to vector<16xf32>
          %swap3A_524 = vector.shape_cast %add3A_519 : vector<16xf32> to vector<1x16xf32>
          tpu.vector_store %arg11[%swap3A_520, %swap3A_521], %swap3A_524 {strides = array<i32>} : memref<32x1024xf32, #tpu.memory_space<vmem>>, vector<1x16xf32>,
          %get3A_525 = arith.constant 560 : index
          %get3A_526 = tpu.vector_load %arg10[%get3A_525] {strides = array<i32>} : memref<1024xf32, #tpu.memory_space<vmem>>, vector<16xf32>,
          %get3A_527 = vector.shape_cast %get3A_526 : vector<16xf32> to vector<16xf32>
          %mul3A_528 = arith.mulf %get3A_527, %get3A_35 : vector<16xf32>
          %get3A_529 = arith.index_cast %add3A_28 : i32 to index
          %get3A_530 = arith.constant 560 : index
          %get3A_531 = tpu.vector_load %arg7[%get3A_529, %get3A_530] {strides = array<i32>} : memref<64x1024xf32, #tpu.memory_space<vmem>>, vector<1x16xf32>,
          %get3A_532 = vector.shape_cast %get3A_531 : vector<1x16xf32> to vector<16xf32>
          %add3A_533 = arith.addf %mul3A_528, %get3A_532 : vector<16xf32>
          %swap3A_534 = arith.index_cast %scan3A_25 : i32 to index
          %swap3A_535 = arith.constant 560 : index
          %swap3A_536 = tpu.vector_load %arg11[%swap3A_534, %swap3A_535] {strides = array<i32>} : memref<32x1024xf32, #tpu.memory_space<vmem>>, vector<1x16xf32>,
          %swap3A_537 = vector.shape_cast %swap3A_536 : vector<1x16xf32> to vector<16xf32>
          %swap3A_538 = vector.shape_cast %add3A_533 : vector<16xf32> to vector<1x16xf32>
          tpu.vector_store %arg11[%swap3A_534, %swap3A_535], %swap3A_538 {strides = array<i32>} : memref<32x1024xf32, #tpu.memory_space<vmem>>, vector<1x16xf32>,
          %get3A_539 = arith.constant 576 : index
          %get3A_540 = tpu.vector_load %arg10[%get3A_539] {strides = array<i32>} : memref<1024xf32, #tpu.memory_space<vmem>>, vector<16xf32>,
          %get3A_541 = vector.shape_cast %get3A_540 : vector<16xf32> to vector<16xf32>
          %mul3A_542 = arith.mulf %get3A_541, %get3A_35 : vector<16xf32>
          %get3A_543 = arith.index_cast %add3A_28 : i32 to index
          %get3A_544 = arith.constant 576 : index
          %get3A_545 = tpu.vector_load %arg7[%get3A_543, %get3A_544] {strides = array<i32>} : memref<64x1024xf32, #tpu.memory_space<vmem>>, vector<1x16xf32>,
          %get3A_546 = vector.shape_cast %get3A_545 : vector<1x16xf32> to vector<16xf32>
          %add3A_547 = arith.addf %mul3A_542, %get3A_546 : vector<16xf32>
          %swap3A_548 = arith.index_cast %scan3A_25 : i32 to index
          %swap3A_549 = arith.constant 576 : index
          %swap3A_550 = tpu.vector_load %arg11[%swap3A_548, %swap3A_549] {strides = array<i32>} : memref<32x1024xf32, #tpu.memory_space<vmem>>, vector<1x16xf32>,
          %swap3A_551 = vector.shape_cast %swap3A_550 : vector<1x16xf32> to vector<16xf32>
          %swap3A_552 = vector.shape_cast %add3A_547 : vector<16xf32> to vector<1x16xf32>
          tpu.vector_store %arg11[%swap3A_548, %swap3A_549], %swap3A_552 {strides = array<i32>} : memref<32x1024xf32, #tpu.memory_space<vmem>>, vector<1x16xf32>,
          %get3A_553 = arith.constant 592 : index
          %get3A_554 = tpu.vector_load %arg10[%get3A_553] {strides = array<i32>} : memref<1024xf32, #tpu.memory_space<vmem>>, vector<16xf32>,
          %get3A_555 = vector.shape_cast %get3A_554 : vector<16xf32> to vector<16xf32>
          %mul3A_556 = arith.mulf %get3A_555, %get3A_35 : vector<16xf32>
          %get3A_557 = arith.index_cast %add3A_28 : i32 to index
          %get3A_558 = arith.constant 592 : index
          %get3A_559 = tpu.vector_load %arg7[%get3A_557, %get3A_558] {strides = array<i32>} : memref<64x1024xf32, #tpu.memory_space<vmem>>, vector<1x16xf32>,
          %get3A_560 = vector.shape_cast %get3A_559 : vector<1x16xf32> to vector<16xf32>
          %add3A_561 = arith.addf %mul3A_556, %get3A_560 : vector<16xf32>
          %swap3A_562 = arith.index_cast %scan3A_25 : i32 to index
          %swap3A_563 = arith.constant 592 : index
          %swap3A_564 = tpu.vector_load %arg11[%swap3A_562, %swap3A_563] {strides = array<i32>} : memref<32x1024xf32, #tpu.memory_space<vmem>>, vector<1x16xf32>,
          %swap3A_565 = vector.shape_cast %swap3A_564 : vector<1x16xf32> to vector<16xf32>
          %swap3A_566 = vector.shape_cast %add3A_561 : vector<16xf32> to vector<1x16xf32>
          tpu.vector_store %arg11[%swap3A_562, %swap3A_563], %swap3A_566 {strides = array<i32>} : memref<32x1024xf32, #tpu.memory_space<vmem>>, vector<1x16xf32>,
          %get3A_567 = arith.constant 608 : index
          %get3A_568 = tpu.vector_load %arg10[%get3A_567] {strides = array<i32>} : memref<1024xf32, #tpu.memory_space<vmem>>, vector<16xf32>,
          %get3A_569 = vector.shape_cast %get3A_568 : vector<16xf32> to vector<16xf32>
          %mul3A_570 = arith.mulf %get3A_569, %get3A_35 : vector<16xf32>
          %get3A_571 = arith.index_cast %add3A_28 : i32 to index
          %get3A_572 = arith.constant 608 : index
          %get3A_573 = tpu.vector_load %arg7[%get3A_571, %get3A_572] {strides = array<i32>} : memref<64x1024xf32, #tpu.memory_space<vmem>>, vector<1x16xf32>,
          %get3A_574 = vector.shape_cast %get3A_573 : vector<1x16xf32> to vector<16xf32>
          %add3A_575 = arith.addf %mul3A_570, %get3A_574 : vector<16xf32>
          %swap3A_576 = arith.index_cast %scan3A_25 : i32 to index
          %swap3A_577 = arith.constant 608 : index
          %swap3A_578 = tpu.vector_load %arg11[%swap3A_576, %swap3A_577] {strides = array<i32>} : memref<32x1024xf32, #tpu.memory_space<vmem>>, vector<1x16xf32>,
          %swap3A_579 = vector.shape_cast %swap3A_578 : vector<1x16xf32> to vector<16xf32>
          %swap3A_580 = vector.shape_cast %add3A_575 : vector<16xf32> to vector<1x16xf32>
          tpu.vector_store %arg11[%swap3A_576, %swap3A_577], %swap3A_580 {strides = array<i32>} : memref<32x1024xf32, #tpu.memory_space<vmem>>, vector<1x16xf32>,
          %get3A_581 = arith.constant 624 : index
          %get3A_582 = tpu.vector_load %arg10[%get3A_581] {strides = array<i32>} : memref<1024xf32, #tpu.memory_space<vmem>>, vector<16xf32>,
          %get3A_583 = vector.shape_cast %get3A_582 : vector<16xf32> to vector<16xf32>
          %mul3A_584 = arith.mulf %get3A_583, %get3A_35 : vector<16xf32>
          %get3A_585 = arith.index_cast %add3A_28 : i32 to index
          %get3A_586 = arith.constant 624 : index
          %get3A_587 = tpu.vector_load %arg7[%get3A_585, %get3A_586] {strides = array<i32>} : memref<64x1024xf32, #tpu.memory_space<vmem>>, vector<1x16xf32>,
          %get3A_588 = vector.shape_cast %get3A_587 : vector<1x16xf32> to vector<16xf32>
          %add3A_589 = arith.addf %mul3A_584, %get3A_588 : vector<16xf32>
          %swap3A_590 = arith.index_cast %scan3A_25 : i32 to index
          %swap3A_591 = arith.constant 624 : index
          %swap3A_592 = tpu.vector_load %arg11[%swap3A_590, %swap3A_591] {strides = array<i32>} : memref<32x1024xf32, #tpu.memory_space<vmem>>, vector<1x16xf32>,
          %swap3A_593 = vector.shape_cast %swap3A_592 : vector<1x16xf32> to vector<16xf32>
          %swap3A_594 = vector.shape_cast %add3A_589 : vector<16xf32> to vector<1x16xf32>
          tpu.vector_store %arg11[%swap3A_590, %swap3A_591], %swap3A_594 {strides = array<i32>} : memref<32x1024xf32, #tpu.memory_space<vmem>>, vector<1x16xf32>,
          %get3A_595 = arith.constant 640 : index
          %get3A_596 = tpu.vector_load %arg10[%get3A_595] {strides = array<i32>} : memref<1024xf32, #tpu.memory_space<vmem>>, vector<16xf32>,
          %get3A_597 = vector.shape_cast %get3A_596 : vector<16xf32> to vector<16xf32>
          %mul3A_598 = arith.mulf %get3A_597, %get3A_35 : vector<16xf32>
          %get3A_599 = arith.index_cast %add3A_28 : i32 to index
          %get3A_600 = arith.constant 640 : index
          %get3A_601 = tpu.vector_load %arg7[%get3A_599, %get3A_600] {strides = array<i32>} : memref<64x1024xf32, #tpu.memory_space<vmem>>, vector<1x16xf32>,
          %get3A_602 = vector.shape_cast %get3A_601 : vector<1x16xf32> to vector<16xf32>
          %add3A_603 = arith.addf %mul3A_598, %get3A_602 : vector<16xf32>
          %swap3A_604 = arith.index_cast %scan3A_25 : i32 to index
          %swap3A_605 = arith.constant 640 : index
          %swap3A_606 = tpu.vector_load %arg11[%swap3A_604, %swap3A_605] {strides = array<i32>} : memref<32x1024xf32, #tpu.memory_space<vmem>>, vector<1x16xf32>,
          %swap3A_607 = vector.shape_cast %swap3A_606 : vector<1x16xf32> to vector<16xf32>
          %swap3A_608 = vector.shape_cast %add3A_603 : vector<16xf32> to vector<1x16xf32>
          tpu.vector_store %arg11[%swap3A_604, %swap3A_605], %swap3A_608 {strides = array<i32>} : memref<32x1024xf32, #tpu.memory_space<vmem>>, vector<1x16xf32>,
          %get3A_609 = arith.constant 656 : index
          %get3A_610 = tpu.vector_load %arg10[%get3A_609] {strides = array<i32>} : memref<1024xf32, #tpu.memory_space<vmem>>, vector<16xf32>,
          %get3A_611 = vector.shape_cast %get3A_610 : vector<16xf32> to vector<16xf32>
          %mul3A_612 = arith.mulf %get3A_611, %get3A_35 : vector<16xf32>
          %get3A_613 = arith.index_cast %add3A_28 : i32 to index
          %get3A_614 = arith.constant 656 : index
          %get3A_615 = tpu.vector_load %arg7[%get3A_613, %get3A_614] {strides = array<i32>} : memref<64x1024xf32, #tpu.memory_space<vmem>>, vector<1x16xf32>,
          %get3A_616 = vector.shape_cast %get3A_615 : vector<1x16xf32> to vector<16xf32>
          %add3A_617 = arith.addf %mul3A_612, %get3A_616 : vector<16xf32>
          %swap3A_618 = arith.index_cast %scan3A_25 : i32 to index
          %swap3A_619 = arith.constant 656 : index
          %swap3A_620 = tpu.vector_load %arg11[%swap3A_618, %swap3A_619] {strides = array<i32>} : memref<32x1024xf32, #tpu.memory_space<vmem>>, vector<1x16xf32>,
          %swap3A_621 = vector.shape_cast %swap3A_620 : vector<1x16xf32> to vector<16xf32>
          %swap3A_622 = vector.shape_cast %add3A_617 : vector<16xf32> to vector<1x16xf32>
          tpu.vector_store %arg11[%swap3A_618, %swap3A_619], %swap3A_622 {strides = array<i32>} : memref<32x1024xf32, #tpu.memory_space<vmem>>, vector<1x16xf32>,
          %get3A_623 = arith.constant 672 : index
          %get3A_624 = tpu.vector_load %arg10[%get3A_623] {strides = array<i32>} : memref<1024xf32, #tpu.memory_space<vmem>>, vector<16xf32>,
          %get3A_625 = vector.shape_cast %get3A_624 : vector<16xf32> to vector<16xf32>
          %mul3A_626 = arith.mulf %get3A_625, %get3A_35 : vector<16xf32>
          %get3A_627 = arith.index_cast %add3A_28 : i32 to index
          %get3A_628 = arith.constant 672 : index
          %get3A_629 = tpu.vector_load %arg7[%get3A_627, %get3A_628] {strides = array<i32>} : memref<64x1024xf32, #tpu.memory_space<vmem>>, vector<1x16xf32>,
          %get3A_630 = vector.shape_cast %get3A_629 : vector<1x16xf32> to vector<16xf32>
          %add3A_631 = arith.addf %mul3A_626, %get3A_630 : vector<16xf32>
          %swap3A_632 = arith.index_cast %scan3A_25 : i32 to index
          %swap3A_633 = arith.constant 672 : index
          %swap3A_634 = tpu.vector_load %arg11[%swap3A_632, %swap3A_633] {strides = array<i32>} : memref<32x1024xf32, #tpu.memory_space<vmem>>, vector<1x16xf32>,
          %swap3A_635 = vector.shape_cast %swap3A_634 : vector<1x16xf32> to vector<16xf32>
          %swap3A_636 = vector.shape_cast %add3A_631 : vector<16xf32> to vector<1x16xf32>
          tpu.vector_store %arg11[%swap3A_632, %swap3A_633], %swap3A_636 {strides = array<i32>} : memref<32x1024xf32, #tpu.memory_space<vmem>>, vector<1x16xf32>,
          %get3A_637 = arith.constant 688 : index
          %get3A_638 = tpu.vector_load %arg10[%get3A_637] {strides = array<i32>} : memref<1024xf32, #tpu.memory_space<vmem>>, vector<16xf32>,
          %get3A_639 = vector.shape_cast %get3A_638 : vector<16xf32> to vector<16xf32>
          %mul3A_640 = arith.mulf %get3A_639, %get3A_35 : vector<16xf32>
          %get3A_641 = arith.index_cast %add3A_28 : i32 to index
          %get3A_642 = arith.constant 688 : index
          %get3A_643 = tpu.vector_load %arg7[%get3A_641, %get3A_642] {strides = array<i32>} : memref<64x1024xf32, #tpu.memory_space<vmem>>, vector<1x16xf32>,
          %get3A_644 = vector.shape_cast %get3A_643 : vector<1x16xf32> to vector<16xf32>
          %add3A_645 = arith.addf %mul3A_640, %get3A_644 : vector<16xf32>
          %swap3A_646 = arith.index_cast %scan3A_25 : i32 to index
          %swap3A_647 = arith.constant 688 : index
          %swap3A_648 = tpu.vector_load %arg11[%swap3A_646, %swap3A_647] {strides = array<i32>} : memref<32x1024xf32, #tpu.memory_space<vmem>>, vector<1x16xf32>,
          %swap3A_649 = vector.shape_cast %swap3A_648 : vector<1x16xf32> to vector<16xf32>
          %swap3A_650 = vector.shape_cast %add3A_645 : vector<16xf32> to vector<1x16xf32>
          tpu.vector_store %arg11[%swap3A_646, %swap3A_647], %swap3A_650 {strides = array<i32>} : memref<32x1024xf32, #tpu.memory_space<vmem>>, vector<1x16xf32>,
          %get3A_651 = arith.constant 704 : index
          %get3A_652 = tpu.vector_load %arg10[%get3A_651] {strides = array<i32>} : memref<1024xf32, #tpu.memory_space<vmem>>, vector<16xf32>,
          %get3A_653 = vector.shape_cast %get3A_652 : vector<16xf32> to vector<16xf32>
          %mul3A_654 = arith.mulf %get3A_653, %get3A_35 : vector<16xf32>
          %get3A_655 = arith.index_cast %add3A_28 : i32 to index
          %get3A_656 = arith.constant 704 : index
          %get3A_657 = tpu.vector_load %arg7[%get3A_655, %get3A_656] {strides = array<i32>} : memref<64x1024xf32, #tpu.memory_space<vmem>>, vector<1x16xf32>,
          %get3A_658 = vector.shape_cast %get3A_657 : vector<1x16xf32> to vector<16xf32>
          %add3A_659 = arith.addf %mul3A_654, %get3A_658 : vector<16xf32>
          %swap3A_660 = arith.index_cast %scan3A_25 : i32 to index
          %swap3A_661 = arith.constant 704 : index
          %swap3A_662 = tpu.vector_load %arg11[%swap3A_660, %swap3A_661] {strides = array<i32>} : memref<32x1024xf32, #tpu.memory_space<vmem>>, vector<1x16xf32>,
          %swap3A_663 = vector.shape_cast %swap3A_662 : vector<1x16xf32> to vector<16xf32>
          %swap3A_664 = vector.shape_cast %add3A_659 : vector<16xf32> to vector<1x16xf32>
          tpu.vector_store %arg11[%swap3A_660, %swap3A_661], %swap3A_664 {strides = array<i32>} : memref<32x1024xf32, #tpu.memory_space<vmem>>, vector<1x16xf32>,
          %get3A_665 = arith.constant 720 : index
          %get3A_666 = tpu.vector_load %arg10[%get3A_665] {strides = array<i32>} : memref<1024xf32, #tpu.memory_space<vmem>>, vector<16xf32>,
          %get3A_667 = vector.shape_cast %get3A_666 : vector<16xf32> to vector<16xf32>
          %mul3A_668 = arith.mulf %get3A_667, %get3A_35 : vector<16xf32>
          %get3A_669 = arith.index_cast %add3A_28 : i32 to index
          %get3A_670 = arith.constant 720 : index
          %get3A_671 = tpu.vector_load %arg7[%get3A_669, %get3A_670] {strides = array<i32>} : memref<64x1024xf32, #tpu.memory_space<vmem>>, vector<1x16xf32>,
          %get3A_672 = vector.shape_cast %get3A_671 : vector<1x16xf32> to vector<16xf32>
          %add3A_673 = arith.addf %mul3A_668, %get3A_672 : vector<16xf32>
          %swap3A_674 = arith.index_cast %scan3A_25 : i32 to index
          %swap3A_675 = arith.constant 720 : index
          %swap3A_676 = tpu.vector_load %arg11[%swap3A_674, %swap3A_675] {strides = array<i32>} : memref<32x1024xf32, #tpu.memory_space<vmem>>, vector<1x16xf32>,
          %swap3A_677 = vector.shape_cast %swap3A_676 : vector<1x16xf32> to vector<16xf32>
          %swap3A_678 = vector.shape_cast %add3A_673 : vector<16xf32> to vector<1x16xf32>
          tpu.vector_store %arg11[%swap3A_674, %swap3A_675], %swap3A_678 {strides = array<i32>} : memref<32x1024xf32, #tpu.memory_space<vmem>>, vector<1x16xf32>,
          %get3A_679 = arith.constant 736 : index
          %get3A_680 = tpu.vector_load %arg10[%get3A_679] {strides = array<i32>} : memref<1024xf32, #tpu.memory_space<vmem>>, vector<16xf32>,
          %get3A_681 = vector.shape_cast %get3A_680 : vector<16xf32> to vector<16xf32>
          %mul3A_682 = arith.mulf %get3A_681, %get3A_35 : vector<16xf32>
          %get3A_683 = arith.index_cast %add3A_28 : i32 to index
          %get3A_684 = arith.constant 736 : index
          %get3A_685 = tpu.vector_load %arg7[%get3A_683, %get3A_684] {strides = array<i32>} : memref<64x1024xf32, #tpu.memory_space<vmem>>, vector<1x16xf32>,
          %get3A_686 = vector.shape_cast %get3A_685 : vector<1x16xf32> to vector<16xf32>
          %add3A_687 = arith.addf %mul3A_682, %get3A_686 : vector<16xf32>
          %swap3A_688 = arith.index_cast %scan3A_25 : i32 to index
          %swap3A_689 = arith.constant 736 : index
          %swap3A_690 = tpu.vector_load %arg11[%swap3A_688, %swap3A_689] {strides = array<i32>} : memref<32x1024xf32, #tpu.memory_space<vmem>>, vector<1x16xf32>,
          %swap3A_691 = vector.shape_cast %swap3A_690 : vector<1x16xf32> to vector<16xf32>
          %swap3A_692 = vector.shape_cast %add3A_687 : vector<16xf32> to vector<1x16xf32>
          tpu.vector_store %arg11[%swap3A_688, %swap3A_689], %swap3A_692 {strides = array<i32>} : memref<32x1024xf32, #tpu.memory_space<vmem>>, vector<1x16xf32>,
          %get3A_693 = arith.constant 752 : index
          %get3A_694 = tpu.vector_load %arg10[%get3A_693] {strides = array<i32>} : memref<1024xf32, #tpu.memory_space<vmem>>, vector<16xf32>,
          %get3A_695 = vector.shape_cast %get3A_694 : vector<16xf32> to vector<16xf32>
          %mul3A_696 = arith.mulf %get3A_695, %get3A_35 : vector<16xf32>
          %get3A_697 = arith.index_cast %add3A_28 : i32 to index
          %get3A_698 = arith.constant 752 : index
          %get3A_699 = tpu.vector_load %arg7[%get3A_697, %get3A_698] {strides = array<i32>} : memref<64x1024xf32, #tpu.memory_space<vmem>>, vector<1x16xf32>,
          %get3A_700 = vector.shape_cast %get3A_699 : vector<1x16xf32> to vector<16xf32>
          %add3A_701 = arith.addf %mul3A_696, %get3A_700 : vector<16xf32>
          %swap3A_702 = arith.index_cast %scan3A_25 : i32 to index
          %swap3A_703 = arith.constant 752 : index
          %swap3A_704 = tpu.vector_load %arg11[%swap3A_702, %swap3A_703] {strides = array<i32>} : memref<32x1024xf32, #tpu.memory_space<vmem>>, vector<1x16xf32>,
          %swap3A_705 = vector.shape_cast %swap3A_704 : vector<1x16xf32> to vector<16xf32>
          %swap3A_706 = vector.shape_cast %add3A_701 : vector<16xf32> to vector<1x16xf32>
          tpu.vector_store %arg11[%swap3A_702, %swap3A_703], %swap3A_706 {strides = array<i32>} : memref<32x1024xf32, #tpu.memory_space<vmem>>, vector<1x16xf32>,
          %get3A_707 = arith.constant 768 : index
          %get3A_708 = tpu.vector_load %arg10[%get3A_707] {strides = array<i32>} : memref<1024xf32, #tpu.memory_space<vmem>>, vector<16xf32>,
          %get3A_709 = vector.shape_cast %get3A_708 : vector<16xf32> to vector<16xf32>
          %mul3A_710 = arith.mulf %get3A_709, %get3A_35 : vector<16xf32>
          %get3A_711 = arith.index_cast %add3A_28 : i32 to index
          %get3A_712 = arith.constant 768 : index
          %get3A_713 = tpu.vector_load %arg7[%get3A_711, %get3A_712] {strides = array<i32>} : memref<64x1024xf32, #tpu.memory_space<vmem>>, vector<1x16xf32>,
          %get3A_714 = vector.shape_cast %get3A_713 : vector<1x16xf32> to vector<16xf32>
          %add3A_715 = arith.addf %mul3A_710, %get3A_714 : vector<16xf32>
          %swap3A_716 = arith.index_cast %scan3A_25 : i32 to index
          %swap3A_717 = arith.constant 768 : index
          %swap3A_718 = tpu.vector_load %arg11[%swap3A_716, %swap3A_717] {strides = array<i32>} : memref<32x1024xf32, #tpu.memory_space<vmem>>, vector<1x16xf32>,
          %swap3A_719 = vector.shape_cast %swap3A_718 : vector<1x16xf32> to vector<16xf32>
          %swap3A_720 = vector.shape_cast %add3A_715 : vector<16xf32> to vector<1x16xf32>
          tpu.vector_store %arg11[%swap3A_716, %swap3A_717], %swap3A_720 {strides = array<i32>} : memref<32x1024xf32, #tpu.memory_space<vmem>>, vector<1x16xf32>,
          %get3A_721 = arith.constant 784 : index
          %get3A_722 = tpu.vector_load %arg10[%get3A_721] {strides = array<i32>} : memref<1024xf32, #tpu.memory_space<vmem>>, vector<16xf32>,
          %get3A_723 = vector.shape_cast %get3A_722 : vector<16xf32> to vector<16xf32>
          %mul3A_724 = arith.mulf %get3A_723, %get3A_35 : vector<16xf32>
          %get3A_725 = arith.index_cast %add3A_28 : i32 to index
          %get3A_726 = arith.constant 784 : index
          %get3A_727 = tpu.vector_load %arg7[%get3A_725, %get3A_726] {strides = array<i32>} : memref<64x1024xf32, #tpu.memory_space<vmem>>, vector<1x16xf32>,
          %get3A_728 = vector.shape_cast %get3A_727 : vector<1x16xf32> to vector<16xf32>
          %add3A_729 = arith.addf %mul3A_724, %get3A_728 : vector<16xf32>
          %swap3A_730 = arith.index_cast %scan3A_25 : i32 to index
          %swap3A_731 = arith.constant 784 : index
          %swap3A_732 = tpu.vector_load %arg11[%swap3A_730, %swap3A_731] {strides = array<i32>} : memref<32x1024xf32, #tpu.memory_space<vmem>>, vector<1x16xf32>,
          %swap3A_733 = vector.shape_cast %swap3A_732 : vector<1x16xf32> to vector<16xf32>
          %swap3A_734 = vector.shape_cast %add3A_729 : vector<16xf32> to vector<1x16xf32>
          tpu.vector_store %arg11[%swap3A_730, %swap3A_731], %swap3A_734 {strides = array<i32>} : memref<32x1024xf32, #tpu.memory_space<vmem>>, vector<1x16xf32>,
          %get3A_735 = arith.constant 800 : index
          %get3A_736 = tpu.vector_load %arg10[%get3A_735] {strides = array<i32>} : memref<1024xf32, #tpu.memory_space<vmem>>, vector<16xf32>,
          %get3A_737 = vector.shape_cast %get3A_736 : vector<16xf32> to vector<16xf32>
          %mul3A_738 = arith.mulf %get3A_737, %get3A_35 : vector<16xf32>
          %get3A_739 = arith.index_cast %add3A_28 : i32 to index
          %get3A_740 = arith.constant 800 : index
          %get3A_741 = tpu.vector_load %arg7[%get3A_739, %get3A_740] {strides = array<i32>} : memref<64x1024xf32, #tpu.memory_space<vmem>>, vector<1x16xf32>,
          %get3A_742 = vector.shape_cast %get3A_741 : vector<1x16xf32> to vector<16xf32>
          %add3A_743 = arith.addf %mul3A_738, %get3A_742 : vector<16xf32>
          %swap3A_744 = arith.index_cast %scan3A_25 : i32 to index
          %swap3A_745 = arith.constant 800 : index
          %swap3A_746 = tpu.vector_load %arg11[%swap3A_744, %swap3A_745] {strides = array<i32>} : memref<32x1024xf32, #tpu.memory_space<vmem>>, vector<1x16xf32>,
          %swap3A_747 = vector.shape_cast %swap3A_746 : vector<1x16xf32> to vector<16xf32>
          %swap3A_748 = vector.shape_cast %add3A_743 : vector<16xf32> to vector<1x16xf32>
          tpu.vector_store %arg11[%swap3A_744, %swap3A_745], %swap3A_748 {strides = array<i32>} : memref<32x1024xf32, #tpu.memory_space<vmem>>, vector<1x16xf32>,
          %get3A_749 = arith.constant 816 : index
          %get3A_750 = tpu.vector_load %arg10[%get3A_749] {strides = array<i32>} : memref<1024xf32, #tpu.memory_space<vmem>>, vector<16xf32>,
          %get3A_751 = vector.shape_cast %get3A_750 : vector<16xf32> to vector<16xf32>
          %mul3A_752 = arith.mulf %get3A_751, %get3A_35 : vector<16xf32>
          %get3A_753 = arith.index_cast %add3A_28 : i32 to index
          %get3A_754 = arith.constant 816 : index
          %get3A_755 = tpu.vector_load %arg7[%get3A_753, %get3A_754] {strides = array<i32>} : memref<64x1024xf32, #tpu.memory_space<vmem>>, vector<1x16xf32>,
          %get3A_756 = vector.shape_cast %get3A_755 : vector<1x16xf32> to vector<16xf32>
          %add3A_757 = arith.addf %mul3A_752, %get3A_756 : vector<16xf32>
          %swap3A_758 = arith.index_cast %scan3A_25 : i32 to index
          %swap3A_759 = arith.constant 816 : index
          %swap3A_760 = tpu.vector_load %arg11[%swap3A_758, %swap3A_759] {strides = array<i32>} : memref<32x1024xf32, #tpu.memory_space<vmem>>, vector<1x16xf32>,
          %swap3A_761 = vector.shape_cast %swap3A_760 : vector<1x16xf32> to vector<16xf32>
          %swap3A_762 = vector.shape_cast %add3A_757 : vector<16xf32> to vector<1x16xf32>
          tpu.vector_store %arg11[%swap3A_758, %swap3A_759], %swap3A_762 {strides = array<i32>} : memref<32x1024xf32, #tpu.memory_space<vmem>>, vector<1x16xf32>,
          %get3A_763 = arith.constant 832 : index
          %get3A_764 = tpu.vector_load %arg10[%get3A_763] {strides = array<i32>} : memref<1024xf32, #tpu.memory_space<vmem>>, vector<16xf32>,
          %get3A_765 = vector.shape_cast %get3A_764 : vector<16xf32> to vector<16xf32>
          %mul3A_766 = arith.mulf %get3A_765, %get3A_35 : vector<16xf32>
          %get3A_767 = arith.index_cast %add3A_28 : i32 to index
          %get3A_768 = arith.constant 832 : index
          %get3A_769 = tpu.vector_load %arg7[%get3A_767, %get3A_768] {strides = array<i32>} : memref<64x1024xf32, #tpu.memory_space<vmem>>, vector<1x16xf32>,
          %get3A_770 = vector.shape_cast %get3A_769 : vector<1x16xf32> to vector<16xf32>
          %add3A_771 = arith.addf %mul3A_766, %get3A_770 : vector<16xf32>
          %swap3A_772 = arith.index_cast %scan3A_25 : i32 to index
          %swap3A_773 = arith.constant 832 : index
          %swap3A_774 = tpu.vector_load %arg11[%swap3A_772, %swap3A_773] {strides = array<i32>} : memref<32x1024xf32, #tpu.memory_space<vmem>>, vector<1x16xf32>,
          %swap3A_775 = vector.shape_cast %swap3A_774 : vector<1x16xf32> to vector<16xf32>
          %swap3A_776 = vector.shape_cast %add3A_771 : vector<16xf32> to vector<1x16xf32>
          tpu.vector_store %arg11[%swap3A_772, %swap3A_773], %swap3A_776 {strides = array<i32>} : memref<32x1024xf32, #tpu.memory_space<vmem>>, vector<1x16xf32>,
          %get3A_777 = arith.constant 848 : index
          %get3A_778 = tpu.vector_load %arg10[%get3A_777] {strides = array<i32>} : memref<1024xf32, #tpu.memory_space<vmem>>, vector<16xf32>,
          %get3A_779 = vector.shape_cast %get3A_778 : vector<16xf32> to vector<16xf32>
          %mul3A_780 = arith.mulf %get3A_779, %get3A_35 : vector<16xf32>
          %get3A_781 = arith.index_cast %add3A_28 : i32 to index
          %get3A_782 = arith.constant 848 : index
          %get3A_783 = tpu.vector_load %arg7[%get3A_781, %get3A_782] {strides = array<i32>} : memref<64x1024xf32, #tpu.memory_space<vmem>>, vector<1x16xf32>,
          %get3A_784 = vector.shape_cast %get3A_783 : vector<1x16xf32> to vector<16xf32>
          %add3A_785 = arith.addf %mul3A_780, %get3A_784 : vector<16xf32>
          %swap3A_786 = arith.index_cast %scan3A_25 : i32 to index
          %swap3A_787 = arith.constant 848 : index
          %swap3A_788 = tpu.vector_load %arg11[%swap3A_786, %swap3A_787] {strides = array<i32>} : memref<32x1024xf32, #tpu.memory_space<vmem>>, vector<1x16xf32>,
          %swap3A_789 = vector.shape_cast %swap3A_788 : vector<1x16xf32> to vector<16xf32>
          %swap3A_790 = vector.shape_cast %add3A_785 : vector<16xf32> to vector<1x16xf32>
          tpu.vector_store %arg11[%swap3A_786, %swap3A_787], %swap3A_790 {strides = array<i32>} : memref<32x1024xf32, #tpu.memory_space<vmem>>, vector<1x16xf32>,
          %get3A_791 = arith.constant 864 : index
          %get3A_792 = tpu.vector_load %arg10[%get3A_791] {strides = array<i32>} : memref<1024xf32, #tpu.memory_space<vmem>>, vector<16xf32>,
          %get3A_793 = vector.shape_cast %get3A_792 : vector<16xf32> to vector<16xf32>
          %mul3A_794 = arith.mulf %get3A_793, %get3A_35 : vector<16xf32>
          %get3A_795 = arith.index_cast %add3A_28 : i32 to index
          %get3A_796 = arith.constant 864 : index
          %get3A_797 = tpu.vector_load %arg7[%get3A_795, %get3A_796] {strides = array<i32>} : memref<64x1024xf32, #tpu.memory_space<vmem>>, vector<1x16xf32>,
          %get3A_798 = vector.shape_cast %get3A_797 : vector<1x16xf32> to vector<16xf32>
          %add3A_799 = arith.addf %mul3A_794, %get3A_798 : vector<16xf32>
          %swap3A_800 = arith.index_cast %scan3A_25 : i32 to index
          %swap3A_801 = arith.constant 864 : index
          %swap3A_802 = tpu.vector_load %arg11[%swap3A_800, %swap3A_801] {strides = array<i32>} : memref<32x1024xf32, #tpu.memory_space<vmem>>, vector<1x16xf32>,
          %swap3A_803 = vector.shape_cast %swap3A_802 : vector<1x16xf32> to vector<16xf32>
          %swap3A_804 = vector.shape_cast %add3A_799 : vector<16xf32> to vector<1x16xf32>
          tpu.vector_store %arg11[%swap3A_800, %swap3A_801], %swap3A_804 {strides = array<i32>} : memref<32x1024xf32, #tpu.memory_space<vmem>>, vector<1x16xf32>,
          %get3A_805 = arith.constant 880 : index
          %get3A_806 = tpu.vector_load %arg10[%get3A_805] {strides = array<i32>} : memref<1024xf32, #tpu.memory_space<vmem>>, vector<16xf32>,
          %get3A_807 = vector.shape_cast %get3A_806 : vector<16xf32> to vector<16xf32>
          %mul3A_808 = arith.mulf %get3A_807, %get3A_35 : vector<16xf32>
          %get3A_809 = arith.index_cast %add3A_28 : i32 to index
          %get3A_810 = arith.constant 880 : index
          %get3A_811 = tpu.vector_load %arg7[%get3A_809, %get3A_810] {strides = array<i32>} : memref<64x1024xf32, #tpu.memory_space<vmem>>, vector<1x16xf32>,
          %get3A_812 = vector.shape_cast %get3A_811 : vector<1x16xf32> to vector<16xf32>
          %add3A_813 = arith.addf %mul3A_808, %get3A_812 : vector<16xf32>
          %swap3A_814 = arith.index_cast %scan3A_25 : i32 to index
          %swap3A_815 = arith.constant 880 : index
          %swap3A_816 = tpu.vector_load %arg11[%swap3A_814, %swap3A_815] {strides = array<i32>} : memref<32x1024xf32, #tpu.memory_space<vmem>>, vector<1x16xf32>,
          %swap3A_817 = vector.shape_cast %swap3A_816 : vector<1x16xf32> to vector<16xf32>
          %swap3A_818 = vector.shape_cast %add3A_813 : vector<16xf32> to vector<1x16xf32>
          tpu.vector_store %arg11[%swap3A_814, %swap3A_815], %swap3A_818 {strides = array<i32>} : memref<32x1024xf32, #tpu.memory_space<vmem>>, vector<1x16xf32>,
          %get3A_819 = arith.constant 896 : index
          %get3A_820 = tpu.vector_load %arg10[%get3A_819] {strides = array<i32>} : memref<1024xf32, #tpu.memory_space<vmem>>, vector<16xf32>,
          %get3A_821 = vector.shape_cast %get3A_820 : vector<16xf32> to vector<16xf32>
          %mul3A_822 = arith.mulf %get3A_821, %get3A_35 : vector<16xf32>
          %get3A_823 = arith.index_cast %add3A_28 : i32 to index
          %get3A_824 = arith.constant 896 : index
          %get3A_825 = tpu.vector_load %arg7[%get3A_823, %get3A_824] {strides = array<i32>} : memref<64x1024xf32, #tpu.memory_space<vmem>>, vector<1x16xf32>,
          %get3A_826 = vector.shape_cast %get3A_825 : vector<1x16xf32> to vector<16xf32>
          %add3A_827 = arith.addf %mul3A_822, %get3A_826 : vector<16xf32>
          %swap3A_828 = arith.index_cast %scan3A_25 : i32 to index
          %swap3A_829 = arith.constant 896 : index
          %swap3A_830 = tpu.vector_load %arg11[%swap3A_828, %swap3A_829] {strides = array<i32>} : memref<32x1024xf32, #tpu.memory_space<vmem>>, vector<1x16xf32>,
          %swap3A_831 = vector.shape_cast %swap3A_830 : vector<1x16xf32> to vector<16xf32>
          %swap3A_832 = vector.shape_cast %add3A_827 : vector<16xf32> to vector<1x16xf32>
          tpu.vector_store %arg11[%swap3A_828, %swap3A_829], %swap3A_832 {strides = array<i32>} : memref<32x1024xf32, #tpu.memory_space<vmem>>, vector<1x16xf32>,
          %get3A_833 = arith.constant 912 : index
          %get3A_834 = tpu.vector_load %arg10[%get3A_833] {strides = array<i32>} : memref<1024xf32, #tpu.memory_space<vmem>>, vector<16xf32>,
          %get3A_835 = vector.shape_cast %get3A_834 : vector<16xf32> to vector<16xf32>
          %mul3A_836 = arith.mulf %get3A_835, %get3A_35 : vector<16xf32>
          %get3A_837 = arith.index_cast %add3A_28 : i32 to index
          %get3A_838 = arith.constant 912 : index
          %get3A_839 = tpu.vector_load %arg7[%get3A_837, %get3A_838] {strides = array<i32>} : memref<64x1024xf32, #tpu.memory_space<vmem>>, vector<1x16xf32>,
          %get3A_840 = vector.shape_cast %get3A_839 : vector<1x16xf32> to vector<16xf32>
          %add3A_841 = arith.addf %mul3A_836, %get3A_840 : vector<16xf32>
          %swap3A_842 = arith.index_cast %scan3A_25 : i32 to index
          %swap3A_843 = arith.constant 912 : index
          %swap3A_844 = tpu.vector_load %arg11[%swap3A_842, %swap3A_843] {strides = array<i32>} : memref<32x1024xf32, #tpu.memory_space<vmem>>, vector<1x16xf32>,
          %swap3A_845 = vector.shape_cast %swap3A_844 : vector<1x16xf32> to vector<16xf32>
          %swap3A_846 = vector.shape_cast %add3A_841 : vector<16xf32> to vector<1x16xf32>
          tpu.vector_store %arg11[%swap3A_842, %swap3A_843], %swap3A_846 {strides = array<i32>} : memref<32x1024xf32, #tpu.memory_space<vmem>>, vector<1x16xf32>,
          %get3A_847 = arith.constant 928 : index
          %get3A_848 = tpu.vector_load %arg10[%get3A_847] {strides = array<i32>} : memref<1024xf32, #tpu.memory_space<vmem>>, vector<16xf32>,
          %get3A_849 = vector.shape_cast %get3A_848 : vector<16xf32> to vector<16xf32>
          %mul3A_850 = arith.mulf %get3A_849, %get3A_35 : vector<16xf32>
          %get3A_851 = arith.index_cast %add3A_28 : i32 to index
          %get3A_852 = arith.constant 928 : index
          %get3A_853 = tpu.vector_load %arg7[%get3A_851, %get3A_852] {strides = array<i32>} : memref<64x1024xf32, #tpu.memory_space<vmem>>, vector<1x16xf32>,
          %get3A_854 = vector.shape_cast %get3A_853 : vector<1x16xf32> to vector<16xf32>
          %add3A_855 = arith.addf %mul3A_850, %get3A_854 : vector<16xf32>
          %swap3A_856 = arith.index_cast %scan3A_25 : i32 to index
          %swap3A_857 = arith.constant 928 : index
          %swap3A_858 = tpu.vector_load %arg11[%swap3A_856, %swap3A_857] {strides = array<i32>} : memref<32x1024xf32, #tpu.memory_space<vmem>>, vector<1x16xf32>,
          %swap3A_859 = vector.shape_cast %swap3A_858 : vector<1x16xf32> to vector<16xf32>
          %swap3A_860 = vector.shape_cast %add3A_855 : vector<16xf32> to vector<1x16xf32>
          tpu.vector_store %arg11[%swap3A_856, %swap3A_857], %swap3A_860 {strides = array<i32>} : memref<32x1024xf32, #tpu.memory_space<vmem>>, vector<1x16xf32>,
          %get3A_861 = arith.constant 944 : index
          %get3A_862 = tpu.vector_load %arg10[%get3A_861] {strides = array<i32>} : memref<1024xf32, #tpu.memory_space<vmem>>, vector<16xf32>,
          %get3A_863 = vector.shape_cast %get3A_862 : vector<16xf32> to vector<16xf32>
          %mul3A_864 = arith.mulf %get3A_863, %get3A_35 : vector<16xf32>
          %get3A_865 = arith.index_cast %add3A_28 : i32 to index
          %get3A_866 = arith.constant 944 : index
          %get3A_867 = tpu.vector_load %arg7[%get3A_865, %get3A_866] {strides = array<i32>} : memref<64x1024xf32, #tpu.memory_space<vmem>>, vector<1x16xf32>,
          %get3A_868 = vector.shape_cast %get3A_867 : vector<1x16xf32> to vector<16xf32>
          %add3A_869 = arith.addf %mul3A_864, %get3A_868 : vector<16xf32>
          %swap3A_870 = arith.index_cast %scan3A_25 : i32 to index
          %swap3A_871 = arith.constant 944 : index
          %swap3A_872 = tpu.vector_load %arg11[%swap3A_870, %swap3A_871] {strides = array<i32>} : memref<32x1024xf32, #tpu.memory_space<vmem>>, vector<1x16xf32>,
          %swap3A_873 = vector.shape_cast %swap3A_872 : vector<1x16xf32> to vector<16xf32>
          %swap3A_874 = vector.shape_cast %add3A_869 : vector<16xf32> to vector<1x16xf32>
          tpu.vector_store %arg11[%swap3A_870, %swap3A_871], %swap3A_874 {strides = array<i32>} : memref<32x1024xf32, #tpu.memory_space<vmem>>, vector<1x16xf32>,
          %get3A_875 = arith.constant 960 : index
          %get3A_876 = tpu.vector_load %arg10[%get3A_875] {strides = array<i32>} : memref<1024xf32, #tpu.memory_space<vmem>>, vector<16xf32>,
          %get3A_877 = vector.shape_cast %get3A_876 : vector<16xf32> to vector<16xf32>
          %mul3A_878 = arith.mulf %get3A_877, %get3A_35 : vector<16xf32>
          %get3A_879 = arith.index_cast %add3A_28 : i32 to index
          %get3A_880 = arith.constant 960 : index
          %get3A_881 = tpu.vector_load %arg7[%get3A_879, %get3A_880] {strides = array<i32>} : memref<64x1024xf32, #tpu.memory_space<vmem>>, vector<1x16xf32>,
          %get3A_882 = vector.shape_cast %get3A_881 : vector<1x16xf32> to vector<16xf32>
          %add3A_883 = arith.addf %mul3A_878, %get3A_882 : vector<16xf32>
          %swap3A_884 = arith.index_cast %scan3A_25 : i32 to index
          %swap3A_885 = arith.constant 960 : index
          %swap3A_886 = tpu.vector_load %arg11[%swap3A_884, %swap3A_885] {strides = array<i32>} : memref<32x1024xf32, #tpu.memory_space<vmem>>, vector<1x16xf32>,
          %swap3A_887 = vector.shape_cast %swap3A_886 : vector<1x16xf32> to vector<16xf32>
          %swap3A_888 = vector.shape_cast %add3A_883 : vector<16xf32> to vector<1x16xf32>
          tpu.vector_store %arg11[%swap3A_884, %swap3A_885], %swap3A_888 {strides = array<i32>} : memref<32x1024xf32, #tpu.memory_space<vmem>>, vector<1x16xf32>,
          %get3A_889 = arith.constant 976 : index
          %get3A_890 = tpu.vector_load %arg10[%get3A_889] {strides = array<i32>} : memref<1024xf32, #tpu.memory_space<vmem>>, vector<16xf32>,
          %get3A_891 = vector.shape_cast %get3A_890 : vector<16xf32> to vector<16xf32>
          %mul3A_892 = arith.mulf %get3A_891, %get3A_35 : vector<16xf32>
          %get3A_893 = arith.index_cast %add3A_28 : i32 to index
          %get3A_894 = arith.constant 976 : index
          %get3A_895 = tpu.vector_load %arg7[%get3A_893, %get3A_894] {strides = array<i32>} : memref<64x1024xf32, #tpu.memory_space<vmem>>, vector<1x16xf32>,
          %get3A_896 = vector.shape_cast %get3A_895 : vector<1x16xf32> to vector<16xf32>
          %add3A_897 = arith.addf %mul3A_892, %get3A_896 : vector<16xf32>
          %swap3A_898 = arith.index_cast %scan3A_25 : i32 to index
          %swap3A_899 = arith.constant 976 : index
          %swap3A_900 = tpu.vector_load %arg11[%swap3A_898, %swap3A_899] {strides = array<i32>} : memref<32x1024xf32, #tpu.memory_space<vmem>>, vector<1x16xf32>,
          %swap3A_901 = vector.shape_cast %swap3A_900 : vector<1x16xf32> to vector<16xf32>
          %swap3A_902 = vector.shape_cast %add3A_897 : vector<16xf32> to vector<1x16xf32>
          tpu.vector_store %arg11[%swap3A_898, %swap3A_899], %swap3A_902 {strides = array<i32>} : memref<32x1024xf32, #tpu.memory_space<vmem>>, vector<1x16xf32>,
          %get3A_903 = arith.constant 992 : index
          %get3A_904 = tpu.vector_load %arg10[%get3A_903] {strides = array<i32>} : memref<1024xf32, #tpu.memory_space<vmem>>, vector<16xf32>,
          %get3A_905 = vector.shape_cast %get3A_904 : vector<16xf32> to vector<16xf32>
          %mul3A_906 = arith.mulf %get3A_905, %get3A_35 : vector<16xf32>
          %get3A_907 = arith.index_cast %add3A_28 : i32 to index
          %get3A_908 = arith.constant 992 : index
          %get3A_909 = tpu.vector_load %arg7[%get3A_907, %get3A_908] {strides = array<i32>} : memref<64x1024xf32, #tpu.memory_space<vmem>>, vector<1x16xf32>,
          %get3A_910 = vector.shape_cast %get3A_909 : vector<1x16xf32> to vector<16xf32>
          %add3A_911 = arith.addf %mul3A_906, %get3A_910 : vector<16xf32>
          %swap3A_912 = arith.index_cast %scan3A_25 : i32 to index
          %swap3A_913 = arith.constant 992 : index
          %swap3A_914 = tpu.vector_load %arg11[%swap3A_912, %swap3A_913] {strides = array<i32>} : memref<32x1024xf32, #tpu.memory_space<vmem>>, vector<1x16xf32>,
          %swap3A_915 = vector.shape_cast %swap3A_914 : vector<1x16xf32> to vector<16xf32>
          %swap3A_916 = vector.shape_cast %add3A_911 : vector<16xf32> to vector<1x16xf32>
          tpu.vector_store %arg11[%swap3A_912, %swap3A_913], %swap3A_916 {strides = array<i32>} : memref<32x1024xf32, #tpu.memory_space<vmem>>, vector<1x16xf32>,
          %get3A_917 = arith.constant 1008 : index
          %get3A_918 = tpu.vector_load %arg10[%get3A_917] {strides = array<i32>} : memref<1024xf32, #tpu.memory_space<vmem>>, vector<16xf32>,
          %get3A_919 = vector.shape_cast %get3A_918 : vector<16xf32> to vector<16xf32>
          %mul3A_920 = arith.mulf %get3A_919, %get3A_35 : vector<16xf32>
          %get3A_921 = arith.index_cast %add3A_28 : i32 to index
          %get3A_922 = arith.constant 1008 : index
          %get3A_923 = tpu.vector_load %arg7[%get3A_921, %get3A_922] {strides = array<i32>} : memref<64x1024xf32, #tpu.memory_space<vmem>>, vector<1x16xf32>,
          %get3A_924 = vector.shape_cast %get3A_923 : vector<1x16xf32> to vector<16xf32>
          %add3A_925 = arith.addf %mul3A_920, %get3A_924 : vector<16xf32>
          %swap3A_926 = arith.index_cast %scan3A_25 : i32 to index
          %swap3A_927 = arith.constant 1008 : index
          %swap3A_928 = tpu.vector_load %arg11[%swap3A_926, %swap3A_927] {strides = array<i32>} : memref<32x1024xf32, #tpu.memory_space<vmem>>, vector<1x16xf32>,
          %swap3A_929 = vector.shape_cast %swap3A_928 : vector<1x16xf32> to vector<16xf32>
          %swap3A_930 = vector.shape_cast %add3A_925 : vector<16xf32> to vector<1x16xf32>
          tpu.vector_store %arg11[%swap3A_926, %swap3A_927], %swap3A_930 {strides = array<i32>} : memref<32x1024xf32, #tpu.memory_space<vmem>>, vector<1x16xf32>,
        }
        %scan3A_22 = arith.constant 32 : i32
        %mul3A_23 = arith.constant 32 : i32
        %mul3A_24 = arith.muli %scan3A_16, %mul3A_23 : i32
        "tpu.region"() ({
          %run_scoped3A = tpu.sem_alloc : memref<!tpu.dma_semaphore, #tpu.memory_space<semaphore_mem>>
          %dma_start3A = arith.constant 0 : i32
          %dma_start3A_25 = tpu.memref_slice %arg6[%add3A_9, %mul3A_24, %dma_start3A] : memref<1024x64x1024xf32, #tpu.memory_space<hbm>> -> memref<1x32x1024xf32, #tpu.memory_space<hbm>>
          %dma_start3A_26 = tpu.memref_squeeze %dma_start3A_25 : memref<1x32x1024xf32, #tpu.memory_space<hbm>> -> memref<32x1024xf32, #tpu.memory_space<hbm>>
          %dma_start3A_27 = arith.constant 0 : i32
          %dma_start3A_28 = tpu.memref_slice %arg6[%add3A_9, %mul3A_24, %dma_start3A_27] : memref<1024x64x1024xf32, #tpu.memory_space<hbm>> -> memref<1x32x1024xf32, #tpu.memory_space<hbm>>
          %dma_start3A_29 = tpu.memref_squeeze %dma_start3A_28 : memref<1x32x1024xf32, #tpu.memory_space<hbm>> -> memref<32x1024xf32, #tpu.memory_space<hbm>>
          tpu.enqueue_dma source(%arg11 : memref<32x1024xf32, #tpu.memory_space<vmem>>) target(%dma_start3A_29 : memref<32x1024xf32, #tpu.memory_space<hbm>>) target_semaphore(%run_scoped3A : memref<!tpu.dma_semaphore, #tpu.memory_space<semaphore_mem>>)
          %dma_wait3A = arith.constant 0 : i32
          %dma_wait3A_30 = tpu.memref_slice %arg6[%add3A_9, %mul3A_24, %dma_wait3A] : memref<1024x64x1024xf32, #tpu.memory_space<hbm>> -> memref<1x32x1024xf32, #tpu.memory_space<hbm>>
          %dma_wait3A_31 = tpu.memref_squeeze %dma_wait3A_30 : memref<1x32x1024xf32, #tpu.memory_space<hbm>> -> memref<32x1024xf32, #tpu.memory_space<hbm>>
          %dma_wait3A_32 = arith.constant 0 : i32
          %dma_wait3A_33 = tpu.memref_slice %arg6[%add3A_9, %mul3A_24, %dma_wait3A_32] : memref<1024x64x1024xf32, #tpu.memory_space<hbm>> -> memref<1x32x1024xf32, #tpu.memory_space<hbm>>
          %dma_wait3A_34 = tpu.memref_squeeze %dma_wait3A_33 : memref<1x32x1024xf32, #tpu.memory_space<hbm>> -> memref<32x1024xf32, #tpu.memory_space<hbm>>
          tpu.wait_dma2 semaphore(%run_scoped3A : memref<!tpu.dma_semaphore, #tpu.memory_space<semaphore_mem>>) src(%arg11 : memref<32x1024xf32, #tpu.memory_space<vmem>>) dst(%dma_wait3A_34 : memref<32x1024xf32, #tpu.memory_space<hbm>>)
          tpu.yield
        }) : () -> ()
      }
      %scan3A_15 = arith.constant 2 : i32
    }
    %scan3A_7 = arith.constant 32 : i32
    return
  }
}

</mosaic_0001>

<sc_bundles>
// kernel: kernel.3.cloned.1.call-start
scs
__scs_entry_jumppad:
0x0: {  	(pc) =	sbr.rel $0x88, $3  }
0x1: {  	(tag) =	ssettag $0x0;
	lr =	simm.s32 $0x1  }
0x2: {  	[smem:$0x3F99] =	sst lr;
	_ =	strace $0xD0000000  }
0x3: {  	_ = 	snop  }
0x4: {  	_ = 	snop  }
0x5: {  	_ = 	snop  }
0x6: {  	_ = 	snop  }
0x7: {  	_ = 	snop  }
__scs_overlays_trampoline_lowered:
0x8: {  	[smem:$0x3FA8] =	sst s0  }
0x9: {  	[smem:$0x3FA9] =	sst s1  }
0xa: {  	[smem:$0x3FAA] =	sst s2  }
0xb: {  	[smem:$0x3FAB] =	sst s3  }
0xc: {  	[smem:$0x3FAC] =	sst s4  }
0xd: {  	[smem:$0x3FAD] =	sst s5  }
0xe: {  	[smem:$0x3FAE] =	sst s6  }
0xf: {  	[smem:$0x3FAF] =	sst s7  }
0x10: {  	[smem:$0x3FB0] =	sst s8  }
0x11: {  	[smem:$0x3FB1] =	sst s9;
	s0 =	simm.s32 @!p0 $0x0  }
0x12: {  	s1 =	sld [smem:$0x3F97];
	s0 =	simm.s32 @p0 $0x1  }
0x13: {  	[smem:$0x3FB2] =	sst s0;
	s0 =	simm.s32 @!p1 $0x0  }
0x14: {  	s2 =	sld [smem:$0x3F96];
	s0 =	simm.s32 @p1 $0x1  }
0x15: {  	[smem:$0x3FB3] =	sst s0;
	s0 =	simm.s32 @!p2 $0x0  }
0x16: {  	s3 =	sld [smem:$0x3FDB];
	s0 =	simm.s32 @p2 $0x1  }
0x17: {  	s4 =	simm.s32 $0x1BF5;
	[smem:$0x3FB5] =	sst s0  }
0x18: {  	s0 =	sld [smem:$0x3F98];
	_ =	swait.ge [sflag:s4], $0x0  }
0x19: {  	s7 =	sld [smem:$0x3F99]  }
0x1a: {  	s8 =	sadd.s32 $0xFFFFE003, lr  }
0x1b: {  	s9 =	sadd.s32 $0xFFFFFEF7, lr;
	s5 =	simm.s32 $0xFFFFFFFF;
	p2 =	slt.u32 s8, $0xFFFFF086  }
0x1c: {  	p1 =	slt.u32 s9, $0xF7A;
	s5 =	simm.s32 @!p2 $0x0  }
0x1d: {  	s5 =	simm.s32 @p1 $0x1;
	p0 =	seq.s32 s7, s2  }
0x1e: {  	s7 =	smul.u32 @!p0 $0xF7A, s2;
	p2 =	seq.s32 @!p0 s5, $0x0  }
0x1f: {  	s9 =	smul.u32 $0xF7A, s1;
	s8 =	simm.s32 @!p0 $0x1BF5;
	p2 =	por !p2, p0  }
0x20: {  	[sflag:s8] =	ssyncset.s32 @!p0 $0xFFFFF086;
	s6 =	sadd.s32 @!p0 s3, s7;
	s7 =	simm.s32 @!p0 $0x108  }
0x21: {  	s3 =	sadd.s32 s3, s9;
	s6 =	sadd.s32 @!p0 $0x88, s6;
	s7 =	simm.s32 @p2 $0x1082  }
0x22: {  	[simem:s7], [sflag:s8] =	dma.local @!p0 [hbm:s6], $0xF7A  }
0x23: {  	s9 =	sor.u32 $0xD0000000, s2;
	s6 =	simm.s32 $0x108;
	_ =	swait.ge @!p0 [sflag:s8], $0x0  }
0x24: {  	s3 =	sadd.s32 $0x88, s3;
	s6 =	simm.s32 @!p1 $0x1082;
	[sflag:s4] =	ssyncset.s32 $0xFFFFF086  }
0x25: {  	[simem:s6], [sflag:s4] =	dma.local [hbm:s3], $0xF7A  }
0x26: {  	[smem:$0x3F99] =	sst s1;
	(tag) =	ssettag s2;
	_ =	strace s9  }
0x27: {  	s1 =	sld [smem:$0x3FA9]  }
0x28: {  	s2 =	sld [smem:$0x3FAA]  }
0x29: {  	s4 =	sld [smem:$0x3FAC]  }
0x2a: {  	p0 =	seq.s32 s5, $0x0;
	s5 =	sld [smem:$0x3FAD]  }
0x2b: {  	s6 =	sld [smem:$0x3FAE]  }
0x2c: {  	s7 =	sld [smem:$0x3FAF]  }
0x2d: {  	s3 =	simm.s32 $0x108;
	s8 =	sld [smem:$0x3FB0]  }
0x2e: {  	s3 =	simm.s32 @!p0 $0x1082;
	s9 =	sld [smem:$0x3FB1]  }
0x2f: {  	lr =	sadd.s32 s0, s3;
	s0 =	sld [smem:$0x3FA8]  }
0x30: {  	s3 =	sld [smem:$0x3FAB]  }
0x31: {  	[smem:$0x3FB4] =	sst s10  }
0x32: {  	s10 =	sld [smem:$0x3FB2];
	_ =	sdelay $0x3  }
0x33: {  	p0 =	seq.s32 s10, $0x1;
	s10 =	sld [smem:$0x3FB4];
	_ =	sdelay $0x3  }
0x34: {  	[smem:$0x3FB4] =	sst s10  }
0x35: {  	s10 =	sld [smem:$0x3FB3];
	_ =	sdelay $0x3  }
0x36: {  	p1 =	seq.s32 s10, $0x1;
	s10 =	sld [smem:$0x3FB4];
	_ =	sdelay $0x3  }
0x37: {  	[smem:$0x3FB4] =	sst s10  }
0x38: {  	s10 =	sld [smem:$0x3FB5]  }
0x39: {  	_ = 	snop;
	(pc) =	sbr.ind lr, $3  }
0x3a: {  	_ = 	snop  }
0x3b: {  	_ = 	snop  }
0x3c: {  	p2 =	seq.s32 s10, $0x1;
	s10 =	sld [smem:$0x3FB4]  }
0x3d: {  	_ =	shalt  }
0x3e: {  	_ =	shalt  }
0x3f: {  	_ =	shalt  }
0x40: {  	_ =	shalt  }
0x41: {  	_ =	shalt  }
0x42: {  	_ =	shalt  }
0x43: {  	_ =	shalt  }
0x44: {  	_ =	shalt  }
0x45: {  	_ =	shalt  }
0x46: {  	_ =	shalt  }
0x47: {  	_ =	shalt  }
0x48: {  	_ =	shalt  }
0x49: {  	_ =	shalt  }
0x4a: {  	_ =	shalt  }
0x4b: {  	_ =	shalt  }
0x4c: {  	_ =	shalt  }
0x4d: {  	_ =	shalt  }
0x4e: {  	_ =	shalt  }
0x4f: {  	_ =	shalt  }
0x50: {  	_ =	shalt  }
0x51: {  	_ =	shalt  }
0x52: {  	_ =	shalt  }
0x53: {  	_ =	shalt  }
0x54: {  	_ =	shalt  }
0x55: {  	_ =	shalt  }
0x56: {  	_ =	shalt  }
0x57: {  	_ =	shalt  }
0x58: {  	_ =	shalt  }
0x59: {  	_ =	shalt  }
0x5a: {  	_ =	shalt  }
0x5b: {  	_ =	shalt  }
0x5c: {  	_ =	shalt  }
0x5d: {  	_ =	shalt  }
0x5e: {  	_ =	shalt  }
0x5f: {  	_ =	shalt  }
0x60: {  	_ =	shalt  }
0x61: {  	_ =	shalt  }
0x62: {  	_ =	shalt  }
0x63: {  	_ =	shalt  }
0x64: {  	_ =	shalt  }
0x65: {  	_ =	shalt  }
0x66: {  	_ =	shalt  }
0x67: {  	_ =	shalt  }
0x68: {  	_ =	shalt  }
0x69: {  	_ =	shalt  }
0x6a: {  	_ =	shalt  }
0x6b: {  	_ =	shalt  }
0x6c: {  	_ =	shalt  }
0x6d: {  	_ =	shalt  }
0x6e: {  	_ =	shalt  }
0x6f: {  	_ =	shalt  }
0x70: {  	_ =	shalt  }
0x71: {  	_ =	shalt  }
0x72: {  	_ =	shalt  }
0x73: {  	_ =	shalt  }
0x74: {  	_ =	shalt  }
0x75: {  	_ =	shalt  }
0x76: {  	_ =	shalt  }
0x77: {  	_ =	shalt  }
0x78: {  	_ =	shalt  }
0x79: {  	_ =	shalt  }
0x7a: {  	_ =	shalt  }
0x7b: {  	_ =	shalt  }
0x7c: {  	_ =	shalt  }
0x7d: {  	_ =	shalt  }
0x7e: {  	_ =	shalt  }
0x7f: {  	_ =	shalt  }
0x80: {  	_ =	shalt  }
0x81: {  	_ =	shalt  }
0x82: {  	_ =	shalt  }
0x83: {  	_ =	shalt  }
0x84: {  	_ =	shalt  }
0x85: {  	_ =	shalt  }
0x86: {  	_ =	shalt  }
0x87: {  	_ =	shalt  }
.Lfunc_end0:
.L_simem_size_0:
called_computation_lowered:
.L_overlay_start_0:
0x88: {  	s2 =	sld [smem:$0x3FD9]  }
0x89: {  	s3 =	sld [smem:$0x3FFE];
	_ =	sdelay $0x1  }
0x8a: {  	s1 =	srdreg.scid  }
0x8b: {  	s0 =	sand.u32 $0x1, s1  }
0x8c: {  	s17 =	sshll.u32 s0, $0xA;
	s2 =	sadd.s32 s3, s2  }
0x8d: {  	s2 =	sadd.s32 s2, s17  }
0x8e: {  	[smem:$0x3FC0] =	sst s2  }
0x8f: {  	_ = 	snop  }
0x90: {  	s2 =	sld [smem:$0x3FD0];
	(tm) =	ssettm $0x1  }
0x91: {  	s18 =	sld [smem:$0x3FFB];
	_ =	sdelay $0x3  }
0x92: {  	_ =	strace s18  }
0x93: {  	s3 =	sld [smem:$0x3FFC];
	_ =	sdelay $0x3  }
0x94: {  	_ =	strace s3  }
0x95: {  	s3 =	sld [smem:$0x3FFD];
	_ =	sdelay $0x3  }
0x96: {  	_ =	strace s3  }
0x97: {  	_ =	strace $0x8FFFFFFF  }
0x98: {  	s19 =	sld [smem:$0x3FDB];
	_ =	sdelay $0x1  }
0x99: {  	s4 =	simm.s32 $_scs_section_size  }
0x9a: {  	s5 =	simm.s32 $_size__tile_overlayer_lowered;
	s6 =	simm.s32 $_tile_overlayer_lowered  }
0x9b: {  	s22 =	simm.s32 $0x1BFF;
	s21 =	sshll.u32 s6, $0x1;
	s3 =	sadd.s32 s4, s19  }
0x9c: {  	s7 =	simm.s32 $0x0;
	s20 =	sshll.u32 s5, $0x1;
	s5 =	sadd.s32 s21, s3  }
0x9d: {  	[timem:s7], [sflag:s22] =	dma.local [hbm:s5], s20  }
0x9e: {  	_ =	swait.ge [sflag:s22], s20  }
0x9f: {  	s4 =	ssub.s32 $0x0, s20;
	[sflag:s22] =	ssyncset.done $0x0  }
0xa0: {  	[sflag:s22] =	ssyncadd.s32 s4;
	_ =	sdelay $0x1  }
0xa1: {  	s23 =	simm.s32 $0x1B8B  }
0xa2: {  	_ =	swait.ge [sflag:s23], $0x1  }
0xa3: {  	[sflag:s23] =	ssyncset.done $0x0  }
0xa4: {  	s25 =	simm.s32 $0x1B8E;
	s24 =	sld [smem:$0x3FFE];
	[sflag:s23] =	ssyncadd.s32 $0xFFFFFFFF  }
0xa5: {  	s26 =	simm.s32 $execute0_lowered;
	[smem:$0x3FD2] =	sst s25  }
0xa6: {  	s5 =	sshll.u32 s26, $0x1;
	_ =	strace $0x80000046;
	[dreg:$0x1] =	wrdreg $0xFFFFFFFF  }
0xa7: {  	s28 =	simm.s32 $_size_execute0_lowered;
	s3 =	sadd.s32 s3, s5;
	[dreg:$0x0] =	wrdreg $0x0  }
0xa8: {  	s5 =	sshll.u32 s28, $0x1;
	[dreg:$0x2] =	wrdreg s3  }
0xa9: {  	[dreg:$0x3] =	wrdreg s5  }
0xaa: {  	[dreg:$0x4] =	wrdreg $0xC0  }
0xab: {  	_ =	task [dreg:s7], $0x5FFFF  }
0xac: {  	[dreg:$0x1] =	wrdreg $0xFFFFFFFF  }
0xad: {  	[dreg:$0x0] =	wrdreg $0x60  }
0xae: {  	[dreg:$0x2] =	wrdreg s24  }
0xaf: {  	[dreg:$0x3] =	wrdreg s2  }
0xb0: {  	[dreg:$0x4] =	wrdreg $0x9  }
0xb1: {  	_ =	task.clear_ibuf [dreg:s7], $0x5FFFF;
	_ =	strace $0x90000046  }
0xb2: {  	s29 =	simm.s32 $0x9;
	_ =	strace $0x80000048  }
0xb3: {  	_ =	swait.ge [sflag:s29], $0x1  }
0xb4: {  	[sflag:s29] =	ssyncadd.s32 $0xFFFFFFFF  }
0xb5: {  	_ =	strace $0x90000048  }
0xb6: {  	_ =	sfence  }
0xb7: {  	s30 =	sld [smem:$0x0];
	_ =	sdelay $0x2  }
0xb8: {  	s31 =	sshll.u32 s1, $0xD;
	s1 =	sshrl.u32 s1, $0x2  }
0xb9: {  	s3 =	sand.u32 $0x4000, s31;
	s1 =	sadd.s32 s1, s30  }
0xba: {  	s0 =	sor.u32 s3, s0;
	s1 =	sshll.u32 s1, $0x11  }
0xbb: {  	s0 =	sor.u32 s1, s0  }
0xbc: {  	s0 =	sadd.s32 $0x8F2B, s0  }
0xbd: {  	[sflag:s0] =	ssyncadd.remote.s32 $0x1  }
0xbe: {  	_ =	sfence.sel $0xFFFF  }
0xbf: {  	[dreg:$0x0] =	wrdreg $0xFFFFFFFF;
	(pc) =	sbr.abs _section_cstart, $3  }
0xc0: {  	[dreg:$0x1] =	wrdreg $0xFFFFFFFF  }
0xc1: {  	_ =	task.clear_ibuf [dreg:s7], $0x2FFFF;
	_ =	strace $0x9FFFFFFF  }
0xc2: {  	(tm) =	ssettm $0x7FFFFFFF  }
0xc3: {  	_ =	shalt  }
tec
execute0_lowered:
.L_overlay_start_1:
0x0: {  	(tag) =	ssettag $0x1  }
0x1: {  	s7 =	rddreg [dreg:$0x0]  }
0x2: {  	s1 =	rddreg [dreg:$0x1]  }
0x3: {  	s0 =	rddreg [dreg:$0x2];
	s2 =	simm.s32 $0x0  }
0x4: {  	s3 =	srdreg.scid;
	s12 =	simm.s32 $0x12000;
	s13 =	simm.s32 $0x80  }
0x5: {  	s14 =	simm.s32 $0x400;
	s15 =	simm.s32 $0x14000;
	s16 =	simm.s32 $0x14400  }
0x6: {  	s17 =	simm.s32 $0x0;
	[smem:$0x7FF] =	sst s2;
	s4 =	sadd.s32 $0x2C00, s7  }
0x7: {  	s5 =	sadd.s32 $0xC00, s7;
	s8 =	sand.u32 $0x1, s3;
	s6 =	sadd.s32 $0x22C00, s7  }
0x8: {  	s3 =	stileid.u32;
	s7 =	sadd.s32 $0x23000, s7;
	s9 =	ssub.s32 $0x2, s8  }
0x9: {  	s11 =	sshll.u32 s3, $0x6;
	s8 =	sshll.u32 s8, $0x5;
	s10 =	sshrl.u32 s9, $0x1  }
0xa: {  	_ =	strace $0x80000047;
	s8 =	sor.u32 s8, s11;
	s9 =	ssub.s32 s9, s10  }
0xb: {  	s11 =	simm.s32 $0x10000;
	s10 =	simm.s32 $0x1;
	s9 =	smax.u32 s9, $0x1  }
.LBB2_1:
0xc: {  	[tilespmem:s2], [sflag:$0x1] =	stream.linear.gather [hbm4b:s5+s2], $0x10000, $0x38;
	[tilespmem:$0x1C400] =	vst v63  }
0xd: {  	_ =	swait.ge [sflag:s10], $0x10000  }
0xe: {  	[sflag:s10] =	ssyncset.done $0x0  }
0xf: {  	[sflag:s10] =	ssyncadd.s32 $0xFFFF0000  }
0x10: {  	[tilespmem:s11], [sflag:$0x1] =	stream.linear.gather [hbm4b:s6+s2], $0x2000, $0x38;
	[tilespmem:$0x1C400] =	vst v63  }
0x11: {  	_ =	swait.ge [sflag:s10], $0x2000  }
0x12: {  	[sflag:s10] =	ssyncset.done $0x0  }
0x13: {  	[sflag:s10] =	ssyncadd.s32 $0xFFFFE000  }
0x14: {  	[tilespmem:s12], [sflag:$0x1] =	stream.linear.gather [hbm4b:s7+s2], $0x2000, $0x38;
	[tilespmem:$0x1C400] =	vst v63  }
0x15: {  	_ =	swait.ge [sflag:s10], $0x2000  }
0x16: {  	[sflag:s10] =	ssyncset.done $0x0  }
0x17: {  	s18 =	simm.s32 $0x0;
	[sflag:s10] =	ssyncadd.s32 $0xFFFFE000  }
.LBB2_2:
0x18: {  	s19 =	sadd.s32 s8, s18;
	s20 =	sshll.u32 s18, $0x4  }
0x19: {  	s21 =	sshll.u32 s19, $0x7;
	s20 =	sand.u32 $0x70, s20  }
0x1a: {  	s21 =	sand.u32 $0x1FC00, s21;
	s20 =	sadd.s32 s4, s20  }
0x1b: {  	s20 =	sadd.s32 s21, s20  }
0x1c: {  	[tilespmem:s15], [sflag:$0x1] =	stream.strided.gather [hbm4b:s20+s13], $0x400, s14, s13, $0x38;
	[tilespmem:$0x1C400] =	vst v63  }
0x1d: {  	_ =	swait.ge [sflag:s10], $0x400  }
0x1e: {  	p1 =	por $0x1, $0x1;
	s19 =	sshll.u32 s19, $0xD;
	[sflag:s10] =	ssyncset.done $0x0  }
0x1f: {  	s19 =	sadd.s32 s1, s19;
	s20 =	simm.s32 $0x0;
	[sflag:s10] =	ssyncadd.s32 $0xFFFFFC00  }
.LBB2_3:
0x20: {  	p0 =	por p1, p1;
	s21 =	sshll.u32 s20, $0x5;
	s22 =	simm.s32 $0x0  }
.LBB2_4:
0x21: {  	s23 =	sadd.s32 s21, s22  }
0x22: {  	s29 =	sshll.u32 s22, $0x7;
	v0 =	vld [tilespmem:$0x14000];
	s28 =	sshll.u32 s23, $0x7;
	s24 =	sshll.u32 s23, $0xA  }
0x23: {  	s23 =	sand.u32 $0x380, s29;
	v1 =	vld [tilespmem:s28+$0x10000];
	s25 =	sand.u32 $0xE000, s24  }
0x24: {  	s26 =	sor.u32 s23, s25  }
0x25: {  	v2 =	vld [tilespmem:s26+$0x0];
	_ =	sdelay $0x2  }
0x26: {  	v0 =	vmul.f32 v0, v1  }
0x27: {  	s30 =	sshll.u32 s22, $0xA  }
0x28: {  	s29 =	sand.u32 $0x6000, s30;
	v2 =	vadd.f32 v2, v0  }
0x29: {  	s31 =	sor.u32 s23, s29  }
0x2a: {  	v0 =	vld [tilespmem:s28+$0x12000];
	[tilespmem:s31+$0x14400] =	vst v2  }
0x2b: {  	v2 =	vld [tilespmem:$0x14010];
	_ =	sdelay $0x1  }
0x2c: {  	v3 =	vld [tilespmem:s26+$0x10];
	_ =	sdelay $0x2  }
0x2d: {  	v2 =	vmul.f32 v2, v1;
	_ =	sdelay $0x1  }
0x2e: {  	v2 =	vadd.f32 v3, v2  }
0x2f: {  	s28 =	sadd.s32 $0x14400, s31  }
0x30: {  	[tilespmem:s28+$0x10] =	vst v2  }
0x31: {  	v2 =	vld [tilespmem:$0x14020];
	_ =	sdelay $0x1  }
0x32: {  	v60 =	vld [tilespmem:s26+$0x20];
	_ =	sdelay $0x2  }
0x33: {  	v2 =	vmul.f32 v2, v1;
	_ =	sdelay $0x1  }
0x34: {  	v2 =	vadd.f32 v60, v2;
	_ =	sdelay $0x1  }
0x35: {  	[tilespmem:s28+$0x20] =	vst v2  }
0x36: {  	v2 =	vld [tilespmem:$0x14030];
	_ =	sdelay $0x1  }
0x37: {  	v61 =	vld [tilespmem:s26+$0x30];
	_ =	sdelay $0x2  }
0x38: {  	v2 =	vmul.f32 v2, v1;
	_ =	sdelay $0x1  }
0x39: {  	v2 =	vadd.f32 v61, v2;
	_ =	sdelay $0x1  }
0x3a: {  	[tilespmem:s28+$0x30] =	vst v2  }
0x3b: {  	v2 =	vld [tilespmem:$0x14040];
	_ =	sdelay $0x1  }
0x3c: {  	v62 =	vld [tilespmem:s26+$0x40];
	_ =	sdelay $0x2  }
0x3d: {  	v2 =	vmul.f32 v2, v1;
	_ =	sdelay $0x1  }
0x3e: {  	v2 =	vadd.f32 v62, v2;
	_ =	sdelay $0x1  }
0x3f: {  	[tilespmem:s28+$0x40] =	vst v2  }
0x40: {  	v2 =	vld [tilespmem:$0x14050];
	_ =	sdelay $0x1  }
0x41: {  	v63 =	vld [tilespmem:s26+$0x50];
	_ =	sdelay $0x2  }
0x42: {  	v2 =	vmul.f32 v2, v1;
	_ =	sdelay $0x1  }
0x43: {  	v2 =	vadd.f32 v63, v2;
	_ =	sdelay $0x1  }
0x44: {  	[tilespmem:s28+$0x50] =	vst v2  }
0x45: {  	v2 =	vld [tilespmem:$0x14060];
	_ =	sdelay $0x1  }
0x46: {  	v6 =	vld [tilespmem:s26+$0x60];
	_ =	sdelay $0x2  }
0x47: {  	v2 =	vmul.f32 v2, v1;
	_ =	sdelay $0x1  }
0x48: {  	v2 =	vadd.f32 v6, v2;
	_ =	sdelay $0x1  }
0x49: {  	[tilespmem:s28+$0x60] =	vst v2  }
0x4a: {  	v2 =	vld [tilespmem:$0x14070];
	_ =	sdelay $0x1  }
0x4b: {  	v7 =	vld [tilespmem:s26+$0x70];
	_ =	sdelay $0x2  }
0x4c: {  	v2 =	vmul.f32 v2, v1;
	_ =	sdelay $0x1  }
0x4d: {  	v2 =	vadd.f32 v7, v2;
	_ =	sdelay $0x1  }
0x4e: {  	[tilespmem:s28+$0x70] =	vst v2  }
0x4f: {  	v2 =	vld [tilespmem:$0x14080];
	_ =	sdelay $0x1  }
0x50: {  	v8 =	vld [tilespmem:s26+$0x400];
	_ =	sdelay $0x2  }
0x51: {  	v2 =	vmul.f32 v2, v1;
	_ =	sdelay $0x1  }
0x52: {  	v2 =	vadd.f32 v8, v2;
	_ =	sdelay $0x1  }
0x53: {  	[tilespmem:s28+$0x400] =	vst v2  }
0x54: {  	v2 =	vld [tilespmem:$0x14090];
	_ =	sdelay $0x1  }
0x55: {  	v9 =	vld [tilespmem:s26+$0x410];
	_ =	sdelay $0x2  }
0x56: {  	v2 =	vmul.f32 v2, v1;
	_ =	sdelay $0x1  }
0x57: {  	v2 =	vadd.f32 v9, v2;
	_ =	sdelay $0x1  }
0x58: {  	[tilespmem:s28+$0x410] =	vst v2  }
0x59: {  	v2 =	vld [tilespmem:$0x140A0];
	_ =	sdelay $0x1  }
0x5a: {  	v10 =	vld [tilespmem:s26+$0x420];
	_ =	sdelay $0x2  }
0x5b: {  	v2 =	vmul.f32 v2, v1;
	_ =	sdelay $0x1  }
0x5c: {  	v2 =	vadd.f32 v10, v2;
	_ =	sdelay $0x1  }
0x5d: {  	[tilespmem:s28+$0x420] =	vst v2  }
0x5e: {  	v2 =	vld [tilespmem:$0x140B0];
	_ =	sdelay $0x1  }
0x5f: {  	v11 =	vld [tilespmem:s26+$0x430];
	_ =	sdelay $0x2  }
0x60: {  	v2 =	vmul.f32 v2, v1;
	_ =	sdelay $0x1  }
0x61: {  	v2 =	vadd.f32 v11, v2;
	_ =	sdelay $0x1  }
0x62: {  	[tilespmem:s28+$0x430] =	vst v2  }
0x63: {  	v2 =	vld [tilespmem:$0x140C0];
	_ =	sdelay $0x1  }
0x64: {  	v12 =	vld [tilespmem:s26+$0x440];
	_ =	sdelay $0x2  }
0x65: {  	v2 =	vmul.f32 v2, v1;
	_ =	sdelay $0x1  }
0x66: {  	v2 =	vadd.f32 v12, v2;
	_ =	sdelay $0x1  }
0x67: {  	[tilespmem:s28+$0x440] =	vst v2  }
0x68: {  	v2 =	vld [tilespmem:$0x140D0];
	_ =	sdelay $0x1  }
0x69: {  	v13 =	vld [tilespmem:s26+$0x450];
	_ =	sdelay $0x2  }
0x6a: {  	v2 =	vmul.f32 v2, v1;
	_ =	sdelay $0x1  }
0x6b: {  	v2 =	vadd.f32 v13, v2;
	_ =	sdelay $0x1  }
0x6c: {  	[tilespmem:s28+$0x450] =	vst v2  }
0x6d: {  	v2 =	vld [tilespmem:$0x140E0];
	_ =	sdelay $0x1  }
0x6e: {  	v14 =	vld [tilespmem:s26+$0x460];
	_ =	sdelay $0x2  }
0x6f: {  	v2 =	vmul.f32 v2, v1;
	_ =	sdelay $0x1  }
0x70: {  	v2 =	vadd.f32 v14, v2;
	_ =	sdelay $0x1  }
0x71: {  	[tilespmem:s28+$0x460] =	vst v2  }
0x72: {  	v2 =	vld [tilespmem:$0x140F0];
	_ =	sdelay $0x1  }
0x73: {  	v15 =	vld [tilespmem:s26+$0x470];
	_ =	sdelay $0x2  }
0x74: {  	v2 =	vmul.f32 v2, v1;
	_ =	sdelay $0x1  }
0x75: {  	v2 =	vadd.f32 v15, v2;
	_ =	sdelay $0x1  }
0x76: {  	[tilespmem:s28+$0x470] =	vst v2  }
0x77: {  	v2 =	vld [tilespmem:$0x14100];
	_ =	sdelay $0x1  }
0x78: {  	v16 =	vld [tilespmem:s26+$0x800];
	_ =	sdelay $0x2  }
0x79: {  	v2 =	vmul.f32 v2, v1;
	_ =	sdelay $0x1  }
0x7a: {  	v2 =	vadd.f32 v16, v2;
	_ =	sdelay $0x1  }
0x7b: {  	[tilespmem:s28+$0x800] =	vst v2  }
0x7c: {  	v2 =	vld [tilespmem:$0x14110];
	_ =	sdelay $0x1  }
0x7d: {  	v17 =	vld [tilespmem:s26+$0x810];
	_ =	sdelay $0x2  }
0x7e: {  	v2 =	vmul.f32 v2, v1;
	_ =	sdelay $0x1  }
0x7f: {  	v2 =	vadd.f32 v17, v2;
	_ =	sdelay $0x1  }
0x80: {  	[tilespmem:s28+$0x810] =	vst v2  }
0x81: {  	v2 =	vld [tilespmem:$0x14120];
	_ =	sdelay $0x1  }
0x82: {  	v18 =	vld [tilespmem:s26+$0x820];
	_ =	sdelay $0x2  }
0x83: {  	v2 =	vmul.f32 v2, v1;
	_ =	sdelay $0x1  }
0x84: {  	v2 =	vadd.f32 v18, v2;
	_ =	sdelay $0x1  }
0x85: {  	[tilespmem:s28+$0x820] =	vst v2  }
0x86: {  	v2 =	vld [tilespmem:$0x14130];
	_ =	sdelay $0x1  }
0x87: {  	v19 =	vld [tilespmem:s26+$0x830];
	_ =	sdelay $0x2  }
0x88: {  	v2 =	vmul.f32 v2, v1;
	_ =	sdelay $0x1  }
0x89: {  	v2 =	vadd.f32 v19, v2;
	_ =	sdelay $0x1  }
0x8a: {  	[tilespmem:s28+$0x830] =	vst v2  }
0x8b: {  	v2 =	vld [tilespmem:$0x14140];
	_ =	sdelay $0x1  }
0x8c: {  	v20 =	vld [tilespmem:s26+$0x840];
	_ =	sdelay $0x2  }
0x8d: {  	v2 =	vmul.f32 v2, v1;
	_ =	sdelay $0x1  }
0x8e: {  	v2 =	vadd.f32 v20, v2;
	_ =	sdelay $0x1  }
0x8f: {  	[tilespmem:s28+$0x840] =	vst v2  }
0x90: {  	v2 =	vld [tilespmem:$0x14150];
	_ =	sdelay $0x1  }
0x91: {  	v21 =	vld [tilespmem:s26+$0x850];
	_ =	sdelay $0x2  }
0x92: {  	v2 =	vmul.f32 v2, v1;
	_ =	sdelay $0x1  }
0x93: {  	v2 =	vadd.f32 v21, v2;
	_ =	sdelay $0x1  }
0x94: {  	[tilespmem:s28+$0x850] =	vst v2  }
0x95: {  	v2 =	vld [tilespmem:$0x14160];
	_ =	sdelay $0x1  }
0x96: {  	v22 =	vld [tilespmem:s26+$0x860];
	_ =	sdelay $0x2  }
0x97: {  	v2 =	vmul.f32 v2, v1;
	_ =	sdelay $0x1  }
0x98: {  	v2 =	vadd.f32 v22, v2;
	_ =	sdelay $0x1  }
0x99: {  	[tilespmem:s28+$0x860] =	vst v2  }
0x9a: {  	v2 =	vld [tilespmem:$0x14170];
	_ =	sdelay $0x1  }
0x9b: {  	v23 =	vld [tilespmem:s26+$0x870];
	_ =	sdelay $0x2  }
0x9c: {  	v2 =	vmul.f32 v2, v1;
	_ =	sdelay $0x1  }
0x9d: {  	v2 =	vadd.f32 v23, v2;
	_ =	sdelay $0x1  }
0x9e: {  	[tilespmem:s28+$0x870] =	vst v2  }
0x9f: {  	v2 =	vld [tilespmem:$0x14180];
	_ =	sdelay $0x1  }
0xa0: {  	v24 =	vld [tilespmem:s26+$0xC00];
	_ =	sdelay $0x2  }
0xa1: {  	v2 =	vmul.f32 v2, v1;
	_ =	sdelay $0x1  }
0xa2: {  	v2 =	vadd.f32 v24, v2;
	_ =	sdelay $0x1  }
0xa3: {  	[tilespmem:s28+$0xC00] =	vst v2  }
0xa4: {  	v2 =	vld [tilespmem:$0x14190];
	_ =	sdelay $0x1  }
0xa5: {  	v25 =	vld [tilespmem:s26+$0xC10];
	_ =	sdelay $0x2  }
0xa6: {  	v2 =	vmul.f32 v2, v1;
	_ =	sdelay $0x1  }
0xa7: {  	v2 =	vadd.f32 v25, v2;
	_ =	sdelay $0x1  }
0xa8: {  	[tilespmem:s28+$0xC10] =	vst v2  }
0xa9: {  	v2 =	vld [tilespmem:$0x141A0];
	_ =	sdelay $0x1  }
0xaa: {  	v26 =	vld [tilespmem:s26+$0xC20];
	_ =	sdelay $0x2  }
0xab: {  	v2 =	vmul.f32 v2, v1;
	_ =	sdelay $0x1  }
0xac: {  	v2 =	vadd.f32 v26, v2;
	_ =	sdelay $0x1  }
0xad: {  	[tilespmem:s28+$0xC20] =	vst v2  }
0xae: {  	v2 =	vld [tilespmem:$0x141B0];
	_ =	sdelay $0x1  }
0xaf: {  	v27 =	vld [tilespmem:s26+$0xC30];
	_ =	sdelay $0x2  }
0xb0: {  	v2 =	vmul.f32 v2, v1;
	_ =	sdelay $0x1  }
0xb1: {  	v2 =	vadd.f32 v27, v2;
	_ =	sdelay $0x1  }
0xb2: {  	[tilespmem:s28+$0xC30] =	vst v2  }
0xb3: {  	v2 =	vld [tilespmem:$0x141C0];
	_ =	sdelay $0x1  }
0xb4: {  	v28 =	vld [tilespmem:s26+$0xC40];
	_ =	sdelay $0x2  }
0xb5: {  	v2 =	vmul.f32 v2, v1;
	_ =	sdelay $0x1  }
0xb6: {  	v2 =	vadd.f32 v28, v2;
	_ =	sdelay $0x1  }
0xb7: {  	[tilespmem:s28+$0xC40] =	vst v2  }
0xb8: {  	v2 =	vld [tilespmem:$0x141D0];
	_ =	sdelay $0x1  }
0xb9: {  	v29 =	vld [tilespmem:s26+$0xC50];
	_ =	sdelay $0x2  }
0xba: {  	v2 =	vmul.f32 v2, v1;
	_ =	sdelay $0x1  }
0xbb: {  	v2 =	vadd.f32 v29, v2;
	_ =	sdelay $0x1  }
0xbc: {  	[tilespmem:s28+$0xC50] =	vst v2  }
0xbd: {  	v2 =	vld [tilespmem:$0x141E0];
	_ =	sdelay $0x1  }
0xbe: {  	v30 =	vld [tilespmem:s26+$0xC60];
	_ =	sdelay $0x2  }
0xbf: {  	v2 =	vmul.f32 v2, v1;
	_ =	sdelay $0x1  }
0xc0: {  	v2 =	vadd.f32 v30, v2;
	_ =	sdelay $0x1  }
0xc1: {  	[tilespmem:s28+$0xC60] =	vst v2  }
0xc2: {  	v2 =	vld [tilespmem:$0x141F0];
	_ =	sdelay $0x1  }
0xc3: {  	v31 =	vld [tilespmem:s26+$0xC70];
	_ =	sdelay $0x2  }
0xc4: {  	v1 =	vmul.f32 v2, v1;
	_ =	sdelay $0x1  }
0xc5: {  	v1 =	vadd.f32 v31, v1;
	_ =	sdelay $0x1  }
0xc6: {  	[tilespmem:s28+$0xC70] =	vst v1  }
0xc7: {  	v1 =	vld [tilespmem:$0x14200];
	_ =	sdelay $0x1  }
0xc8: {  	v32 =	vld [tilespmem:s26+$0x1000];
	_ =	sdelay $0x2  }
0xc9: {  	v1 =	vmul.f32 v1, v0;
	_ =	sdelay $0x1  }
0xca: {  	v1 =	vadd.f32 v32, v1;
	_ =	sdelay $0x1  }
0xcb: {  	[tilespmem:s28+$0x1000] =	vst v1  }
0xcc: {  	v1 =	vld [tilespmem:$0x14210];
	_ =	sdelay $0x1  }
0xcd: {  	v33 =	vld [tilespmem:s26+$0x1010];
	_ =	sdelay $0x2  }
0xce: {  	v1 =	vmul.f32 v1, v0;
	_ =	sdelay $0x1  }
0xcf: {  	v1 =	vadd.f32 v33, v1;
	_ =	sdelay $0x1  }
0xd0: {  	[tilespmem:s28+$0x1010] =	vst v1  }
0xd1: {  	v1 =	vld [tilespmem:$0x14220];
	_ =	sdelay $0x1  }
0xd2: {  	v34 =	vld [tilespmem:s26+$0x1020];
	_ =	sdelay $0x2  }
0xd3: {  	v1 =	vmul.f32 v1, v0;
	_ =	sdelay $0x1  }
0xd4: {  	v1 =	vadd.f32 v34, v1;
	_ =	sdelay $0x1  }
0xd5: {  	[tilespmem:s28+$0x1020] =	vst v1  }
0xd6: {  	v1 =	vld [tilespmem:$0x14230];
	_ =	sdelay $0x1  }
0xd7: {  	v35 =	vld [tilespmem:s26+$0x1030];
	_ =	sdelay $0x2  }
0xd8: {  	v1 =	vmul.f32 v1, v0;
	_ =	sdelay $0x1  }
0xd9: {  	v1 =	vadd.f32 v35, v1;
	_ =	sdelay $0x1  }
0xda: {  	[tilespmem:s28+$0x1030] =	vst v1  }
0xdb: {  	v1 =	vld [tilespmem:$0x14240];
	_ =	sdelay $0x1  }
0xdc: {  	v36 =	vld [tilespmem:s26+$0x1040];
	_ =	sdelay $0x2  }
0xdd: {  	v1 =	vmul.f32 v1, v0;
	_ =	sdelay $0x1  }
0xde: {  	v1 =	vadd.f32 v36, v1;
	_ =	sdelay $0x1  }
0xdf: {  	[tilespmem:s28+$0x1040] =	vst v1  }
0xe0: {  	v1 =	vld [tilespmem:$0x14250];
	_ =	sdelay $0x1  }
0xe1: {  	v37 =	vld [tilespmem:s26+$0x1050];
	_ =	sdelay $0x2  }
0xe2: {  	v1 =	vmul.f32 v1, v0;
	_ =	sdelay $0x1  }
0xe3: {  	v1 =	vadd.f32 v37, v1;
	_ =	sdelay $0x1  }
0xe4: {  	[tilespmem:s28+$0x1050] =	vst v1  }
0xe5: {  	v1 =	vld [tilespmem:$0x14260];
	_ =	sdelay $0x1  }
0xe6: {  	v38 =	vld [tilespmem:s26+$0x1060];
	_ =	sdelay $0x2  }
0xe7: {  	v1 =	vmul.f32 v1, v0;
	_ =	sdelay $0x1  }
0xe8: {  	v1 =	vadd.f32 v38, v1;
	_ =	sdelay $0x1  }
0xe9: {  	[tilespmem:s28+$0x1060] =	vst v1  }
0xea: {  	v1 =	vld [tilespmem:$0x14270];
	_ =	sdelay $0x1  }
0xeb: {  	v39 =	vld [tilespmem:s26+$0x1070];
	_ =	sdelay $0x2  }
0xec: {  	v1 =	vmul.f32 v1, v0;
	_ =	sdelay $0x1  }
0xed: {  	v1 =	vadd.f32 v39, v1;
	_ =	sdelay $0x1  }
0xee: {  	[tilespmem:s28+$0x1070] =	vst v1  }
0xef: {  	v1 =	vld [tilespmem:$0x14280];
	_ =	sdelay $0x1  }
0xf0: {  	v40 =	vld [tilespmem:s26+$0x1400];
	_ =	sdelay $0x2  }
0xf1: {  	v1 =	vmul.f32 v1, v0;
	_ =	sdelay $0x1  }
0xf2: {  	v1 =	vadd.f32 v40, v1;
	_ =	sdelay $0x1  }
0xf3: {  	[tilespmem:s28+$0x1400] =	vst v1  }
0xf4: {  	v1 =	vld [tilespmem:$0x14290];
	_ =	sdelay $0x1  }
0xf5: {  	v41 =	vld [tilespmem:s26+$0x1410];
	_ =	sdelay $0x2  }
0xf6: {  	v1 =	vmul.f32 v1, v0;
	_ =	sdelay $0x1  }
0xf7: {  	v1 =	vadd.f32 v41, v1;
	_ =	sdelay $0x1  }
0xf8: {  	[tilespmem:s28+$0x1410] =	vst v1  }
0xf9: {  	v1 =	vld [tilespmem:$0x142A0];
	_ =	sdelay $0x1  }
0xfa: {  	v42 =	vld [tilespmem:s26+$0x1420];
	_ =	sdelay $0x2  }
0xfb: {  	v1 =	vmul.f32 v1, v0;
	_ =	sdelay $0x1  }
0xfc: {  	v1 =	vadd.f32 v42, v1;
	_ =	sdelay $0x1  }
0xfd: {  	[tilespmem:s28+$0x1420] =	vst v1  }
0xfe: {  	v1 =	vld [tilespmem:$0x142B0];
	_ =	sdelay $0x1  }
0xff: {  	v43 =	vld [tilespmem:s26+$0x1430];
	_ =	sdelay $0x2  }
0x100: {  	v1 =	vmul.f32 v1, v0;
	_ =	sdelay $0x1  }
0x101: {  	v1 =	vadd.f32 v43, v1;
	_ =	sdelay $0x1  }
0x102: {  	[tilespmem:s28+$0x1430] =	vst v1  }
0x103: {  	v1 =	vld [tilespmem:$0x142C0];
	_ =	sdelay $0x1  }
0x104: {  	v44 =	vld [tilespmem:s26+$0x1440];
	_ =	sdelay $0x2  }
0x105: {  	v1 =	vmul.f32 v1, v0;
	_ =	sdelay $0x1  }
0x106: {  	v1 =	vadd.f32 v44, v1;
	_ =	sdelay $0x1  }
0x107: {  	[tilespmem:s28+$0x1440] =	vst v1  }
0x108: {  	v1 =	vld [tilespmem:$0x142D0];
	_ =	sdelay $0x1  }
0x109: {  	v45 =	vld [tilespmem:s26+$0x1450];
	_ =	sdelay $0x2  }
0x10a: {  	v1 =	vmul.f32 v1, v0;
	_ =	sdelay $0x1  }
0x10b: {  	v1 =	vadd.f32 v45, v1;
	_ =	sdelay $0x1  }
0x10c: {  	[tilespmem:s28+$0x1450] =	vst v1  }
0x10d: {  	v1 =	vld [tilespmem:$0x142E0];
	_ =	sdelay $0x1  }
0x10e: {  	v46 =	vld [tilespmem:s26+$0x1460];
	_ =	sdelay $0x2  }
0x10f: {  	v1 =	vmul.f32 v1, v0;
	_ =	sdelay $0x1  }
0x110: {  	v1 =	vadd.f32 v46, v1;
	_ =	sdelay $0x1  }
0x111: {  	[tilespmem:s28+$0x1460] =	vst v1  }
0x112: {  	v1 =	vld [tilespmem:$0x142F0];
	_ =	sdelay $0x1  }
0x113: {  	v47 =	vld [tilespmem:s26+$0x1470];
	_ =	sdelay $0x2  }
0x114: {  	v1 =	vmul.f32 v1, v0;
	_ =	sdelay $0x1  }
0x115: {  	v1 =	vadd.f32 v47, v1;
	_ =	sdelay $0x1  }
0x116: {  	[tilespmem:s28+$0x1470] =	vst v1  }
0x117: {  	v1 =	vld [tilespmem:$0x14300];
	_ =	sdelay $0x1  }
0x118: {  	v48 =	vld [tilespmem:s26+$0x1800];
	_ =	sdelay $0x2  }
0x119: {  	v1 =	vmul.f32 v1, v0;
	_ =	sdelay $0x1  }
0x11a: {  	v1 =	vadd.f32 v48, v1;
	_ =	sdelay $0x1  }
0x11b: {  	[tilespmem:s28+$0x1800] =	vst v1  }
0x11c: {  	v1 =	vld [tilespmem:$0x14310];
	_ =	sdelay $0x1  }
0x11d: {  	v49 =	vld [tilespmem:s26+$0x1810];
	_ =	sdelay $0x2  }
0x11e: {  	v1 =	vmul.f32 v1, v0;
	_ =	sdelay $0x1  }
0x11f: {  	v1 =	vadd.f32 v49, v1;
	_ =	sdelay $0x1  }
0x120: {  	[tilespmem:s28+$0x1810] =	vst v1  }
0x121: {  	v1 =	vld [tilespmem:$0x14320];
	_ =	sdelay $0x1  }
0x122: {  	v50 =	vld [tilespmem:s26+$0x1820];
	_ =	sdelay $0x2  }
0x123: {  	v1 =	vmul.f32 v1, v0;
	_ =	sdelay $0x1  }
0x124: {  	v1 =	vadd.f32 v50, v1;
	_ =	sdelay $0x1  }
0x125: {  	[tilespmem:s28+$0x1820] =	vst v1  }
0x126: {  	v1 =	vld [tilespmem:$0x14330];
	_ =	sdelay $0x1  }
0x127: {  	v51 =	vld [tilespmem:s26+$0x1830];
	_ =	sdelay $0x2  }
0x128: {  	v1 =	vmul.f32 v1, v0;
	_ =	sdelay $0x1  }
0x129: {  	v1 =	vadd.f32 v51, v1;
	_ =	sdelay $0x1  }
0x12a: {  	[tilespmem:s28+$0x1830] =	vst v1  }
0x12b: {  	v1 =	vld [tilespmem:$0x14340];
	_ =	sdelay $0x1  }
0x12c: {  	v52 =	vld [tilespmem:s26+$0x1840];
	_ =	sdelay $0x2  }
0x12d: {  	v1 =	vmul.f32 v1, v0;
	_ =	sdelay $0x1  }
0x12e: {  	v1 =	vadd.f32 v52, v1;
	_ =	sdelay $0x1  }
0x12f: {  	[tilespmem:s28+$0x1840] =	vst v1  }
0x130: {  	v1 =	vld [tilespmem:$0x14350];
	_ =	sdelay $0x1  }
0x131: {  	v53 =	vld [tilespmem:s26+$0x1850];
	_ =	sdelay $0x2  }
0x132: {  	v1 =	vmul.f32 v1, v0;
	_ =	sdelay $0x1  }
0x133: {  	v1 =	vadd.f32 v53, v1;
	_ =	sdelay $0x1  }
0x134: {  	[tilespmem:s28+$0x1850] =	vst v1  }
0x135: {  	v1 =	vld [tilespmem:$0x14360];
	_ =	sdelay $0x1  }
0x136: {  	v54 =	vld [tilespmem:s26+$0x1860];
	_ =	sdelay $0x2  }
0x137: {  	v1 =	vmul.f32 v1, v0;
	_ =	sdelay $0x1  }
0x138: {  	v1 =	vadd.f32 v54, v1;
	_ =	sdelay $0x1  }
0x139: {  	[tilespmem:s28+$0x1860] =	vst v1  }
0x13a: {  	v1 =	vld [tilespmem:$0x14370];
	_ =	sdelay $0x1  }
0x13b: {  	v55 =	vld [tilespmem:s26+$0x1870];
	_ =	sdelay $0x2  }
0x13c: {  	v1 =	vmul.f32 v1, v0;
	_ =	sdelay $0x1  }
0x13d: {  	v1 =	vadd.f32 v55, v1;
	_ =	sdelay $0x1  }
0x13e: {  	[tilespmem:s28+$0x1870] =	vst v1  }
0x13f: {  	s24 =	sor.u32 s23, s24;
	v1 =	vld [tilespmem:$0x14380]  }
0x140: {  	s29 =	sor.u32 $0x1C00, s24  }
0x141: {  	v56 =	vld [tilespmem:s29+$0x0];
	_ =	sdelay $0x2  }
0x142: {  	v1 =	vmul.f32 v1, v0;
	_ =	sdelay $0x1  }
0x143: {  	s23 =	sor.u32 s30, s23;
	v1 =	vadd.f32 v56, v1  }
0x144: {  	s25 =	sor.u32 $0x1C00, s23  }
0x145: {  	[tilespmem:s25+$0x14400] =	vst v1  }
0x146: {  	v1 =	vld [tilespmem:$0x14390]  }
0x147: {  	s30 =	sor.u32 $0x1C10, s24  }
0x148: {  	v57 =	vld [tilespmem:s30+$0x0];
	_ =	sdelay $0x2  }
0x149: {  	v1 =	vmul.f32 v1, v0;
	_ =	sdelay $0x1  }
0x14a: {  	v1 =	vadd.f32 v57, v1  }
0x14b: {  	s31 =	sor.u32 $0x1C10, s23  }
0x14c: {  	[tilespmem:s31+$0x14400] =	vst v1  }
0x14d: {  	v1 =	vld [tilespmem:$0x143A0]  }
0x14e: {  	s26 =	sor.u32 $0x1C20, s24  }
0x14f: {  	v58 =	vld [tilespmem:s26+$0x0];
	_ =	sdelay $0x2  }
0x150: {  	v1 =	vmul.f32 v1, v0;
	_ =	sdelay $0x1  }
0x151: {  	v1 =	vadd.f32 v58, v1  }
0x152: {  	s28 =	sor.u32 $0x1C20, s23  }
0x153: {  	[tilespmem:s28+$0x14400] =	vst v1  }
0x154: {  	v1 =	vld [tilespmem:$0x143B0]  }
0x155: {  	s29 =	sor.u32 $0x1C30, s24  }
0x156: {  	v59 =	vld [tilespmem:s29+$0x0];
	_ =	sdelay $0x2  }
0x157: {  	v1 =	vmul.f32 v1, v0;
	_ =	sdelay $0x1  }
0x158: {  	v1 =	vadd.f32 v59, v1  }
0x159: {  	s30 =	sor.u32 $0x1C30, s23  }
0x15a: {  	[tilespmem:s30+$0x14400] =	vst v1  }
0x15b: {  	v1 =	vld [tilespmem:$0x143C0]  }
0x15c: {  	s31 =	sor.u32 $0x1C40, s24  }
0x15d: {  	v60 =	vld [tilespmem:s31+$0x0];
	_ =	sdelay $0x2  }
0x15e: {  	v1 =	vmul.f32 v1, v0;
	_ =	sdelay $0x1  }
0x15f: {  	v1 =	vadd.f32 v60, v1  }
0x160: {  	s26 =	sor.u32 $0x1C40, s23  }
0x161: {  	[tilespmem:s26+$0x14400] =	vst v1  }
0x162: {  	v1 =	vld [tilespmem:$0x143D0]  }
0x163: {  	s28 =	sor.u32 $0x1C50, s24  }
0x164: {  	v61 =	vld [tilespmem:s28+$0x0];
	_ =	sdelay $0x2  }
0x165: {  	v1 =	vmul.f32 v1, v0;
	_ =	sdelay $0x1  }
0x166: {  	v1 =	vadd.f32 v61, v1  }
0x167: {  	s29 =	sor.u32 $0x1C50, s23  }
0x168: {  	[tilespmem:s29+$0x14400] =	vst v1  }
0x169: {  	v1 =	vld [tilespmem:$0x143E0]  }
0x16a: {  	s30 =	sor.u32 $0x1C60, s24  }
0x16b: {  	v62 =	vld [tilespmem:s30+$0x0];
	_ =	sdelay $0x2  }
0x16c: {  	v1 =	vmul.f32 v1, v0;
	_ =	sdelay $0x1  }
0x16d: {  	v1 =	vadd.f32 v62, v1  }
0x16e: {  	s31 =	sor.u32 $0x1C60, s23  }
0x16f: {  	[tilespmem:s31+$0x14400] =	vst v1  }
0x170: {  	v1 =	vld [tilespmem:$0x143F0]  }
0x171: {  	s24 =	sor.u32 $0x1C70, s24  }
0x172: {  	v63 =	vld [tilespmem:s24+$0x0];
	_ =	sdelay $0x1  }
0x173: {  	p1 =	sne.s32 s22, $0x1F  }
.Ltmp0:
0x174: {  	v0 =	vmul.f32 v1, v0;
	(pc) =	sbr.rel @p1 .LBB2_4-.Ltmp0, $4  }
0x175: {  	_ = 	snop  }
0x176: {  	v0 =	vadd.f32 v63, v0  }
0x177: {  	s23 =	sor.u32 $0x1C70, s23  }
0x178: {  	s22 =	sadd.s32 $0x1, s22;
	[tilespmem:s23+$0x14400] =	vst v0  }
0x179: {  	s20 =	sshll.u32 s20, $0xC  }
0x17a: {  	s20 =	sadd.s32 s20, s19  }
0x17b: {  	[hbm4b:s20+s2] =	stream.linear.scatter [tilespmem:s16], [sflag:$0x1], $0x8000, $0x38;
	[tilespmem:$0x1C400] =	vst v63  }
.Ltmp1:
0x17c: {  	_ = 	snop;
	(pc) =	sbr.rel @p0 .LBB2_3-.Ltmp1, $4  }
0x17d: {  	s20 =	simm.s32 $0x1  }
0x17e: {  	_ =	swait.ge [sflag:s20], $0x8000  }
0x17f: {  	[sflag:s20] =	ssyncset.done $0x0  }
0x180: {  	p1 =	por $0x0, $0x0;
	[sflag:s20] =	ssyncadd.s32 $0xFFFF8000  }
0x181: {  	s18 =	sadd.s32 $0x1, s18  }
0x182: {  	p0 =	sne.s32 s18, $0x20  }
.Ltmp2:
0x183: {  	_ = 	snop;
	(pc) =	sbr.rel @p0 .LBB2_2-.Ltmp2, $1  }
0x184: {  	_ =	sdelay $0x3  }
0x185: {  	s17 =	sadd.s32 $0x1, s17  }
0x186: {  	p0 =	sne.s32 s17, s9  }
.Ltmp3:
0x187: {  	_ = 	snop;
	(pc) =	sbr.rel @p0 .LBB2_1-.Ltmp3, $1  }
0x188: {  	_ =	sdelay $0x3  }
0x189: {  	_ =	sfence.sel $0x180000  }
0x18a: {  	[bflag:$0x0] =	sbarrier.arrive $0xFFFF  }
0x18b: {  	p0 =	sne.s32 s3, $0x0;
	_ =	strace $0x90000047  }
0x18c: {  	s0 =	sadd.s32 @!p0 $0x100000, s0;
	[bflag:$0x2] =	sbarrier.arrive $0xFFFF  }
0x18d: {  	[sflag:s0] =	ssyncadd.tile.s32 @!p0 $0x1;
	_ =	shalt  }
.Lfunc_end2:
_tile_overlayer_lowered:
.L_overlay_start_2:
0x18e: {  	(tag) =	ssettag $0x2  }
0x18f: {  	s0 =	rddreg [dreg:$0x0];
	s2 =	stileid.u32  }
0x190: {  	s1 =	rddreg [dreg:$0x1];
	p0 =	sne.s32 s2, $0x0  }
0x191: {  	s3 =	rddreg [dreg:$0x2];
	[bflag:$0x3] =	sbarrier.arrive $0xFFFF;
	s2 =	simm.s32 @!p0 $0x1C01  }
0x192: {  	[timem:s3], [sflag:s2] =	dma.local @!p0 [hbm:s0], s1  }
0x193: {  	s0 =	simm.s32 @!p0 $0x1  }
0x194: {  	_ =	swait.ge @!p0 [sflag:s0], s1  }
0x195: {  	s1 =	ssub.s32 @!p0 $0x0, s1;
	[sflag:s0] =	ssyncset.done @!p0 $0x0  }
0x196: {  	[sflag:s0] =	ssyncadd.s32 @!p0 s1  }
0x197: {  	[bflag:$0x3] =	sbarrier.arrive $0xFFFF  }
0x198: {  	_ =	shalt  }

</sc_bundles>
